<compile_context>
chip_gen: v7x
topology: tpu7x:2x2x1
jax: 0.10.2.dev20260603
libtpu: 0.0.44.dev20260713+nightly
codegen_flags: <defaults>
</compile_context>

<pallas_src>
import functools

import jax
import jax.numpy as jnp
from jax import lax
from jax.experimental import pallas as pl
from jax.experimental.pallas import tpu as pltpu
from jax.experimental.pallas import tpu_sc as plsc

SEQ = 200
EMBED = 64
HID = 128
GATES = 4 * HID

_NC = 2
_NS = 16
_B_PER_W = 8
_NW_USED = SEQ // _B_PER_W


def _sc_gather_body(table_hbm, idx_hbm, out_hbm, idx_v, rows_v, sem):
    wid = lax.axis_index("s") * _NC + lax.axis_index("c")

    @pl.when(wid < _NW_USED)
    def _():
        base = wid * _B_PER_W
        pltpu.sync_copy(idx_hbm.at[pl.ds(base, _B_PER_W)], idx_v)
        pltpu.async_copy(table_hbm.at[idx_v], rows_v, sem).wait()
        pltpu.sync_copy(rows_v, out_hbm.at[pl.ds(base, _B_PER_W), 0])


def _sc_gather(table, idx):
    mesh = plsc.VectorSubcoreMesh(core_axis_name="c", subcore_axis_name="s")
    f = functools.partial(
        pl.kernel,
        mesh=mesh,
        out_type=jax.ShapeDtypeStruct((SEQ, 1, EMBED), jnp.float32),
        scratch_types=[
            pltpu.VMEM((_B_PER_W,), jnp.int32),
            pltpu.VMEM((_B_PER_W, EMBED), jnp.float32),
            pltpu.SemaphoreType.DMA,
        ],
        compiler_params=pltpu.CompilerParams(use_tc_tiling_on_sc=False),
    )(_sc_gather_body)
    return f(table, idx)


def _lstm_body(e_ref, wih_ref, whh_ref, bih_ref, bhh_ref, wout_ref, bout_ref,
               x_ref, gx_ref):
    b = (bih_ref[...] + bhh_ref[...]).reshape(1, GATES)
    gx_ref[...] = (
        lax.dot_general(
            e_ref[...].reshape(SEQ, EMBED), wih_ref[...],
            (((1,), (1,)), ((), ())),
            preferred_element_type=jnp.float32,
        )
        + b
    )
    whh = whh_ref[...]

    def step(t, carry):
        h, c = carry
        g = gx_ref[pl.ds(t, 1), :] + lax.dot_general(
            h, whh, (((1,), (1,)), ((), ())), preferred_element_type=jnp.float32
        )
        i = jax.nn.sigmoid(g[:, 0:HID])
        f = jax.nn.sigmoid(g[:, HID:2 * HID])
        gg = jnp.tanh(g[:, 2 * HID:3 * HID])
        o = jax.nn.sigmoid(g[:, 3 * HID:4 * HID])
        c = f * c + i * gg
        h = o * jnp.tanh(c)
        return (h, c)

    h0 = jnp.zeros((1, HID), jnp.float32)
    c0 = jnp.zeros((1, HID), jnp.float32)
    h, _ = lax.fori_loop(0, SEQ, step, (h0, c0), unroll=25)
    x_ref[...] = (
        lax.dot_general(
            h, wout_ref[...], (((1,), (1,)), ((), ())),
            preferred_element_type=jnp.float32,
        )
        + bout_ref[...][None, :]
    )


def _lstm(rows, W_ih, W_hh, b_ih, b_hh, W_out, b_out):
    return pl.pallas_call(
        _lstm_body,
        out_shape=jax.ShapeDtypeStruct((1, 2), jnp.float32),
        in_specs=[
            pl.BlockSpec(memory_space=pltpu.VMEM),
            pl.BlockSpec(memory_space=pltpu.VMEM),
            pl.BlockSpec(memory_space=pltpu.VMEM),
            pl.BlockSpec(memory_space=pltpu.VMEM),
            pl.BlockSpec(memory_space=pltpu.VMEM),
            pl.BlockSpec(memory_space=pltpu.VMEM),
            pl.BlockSpec(memory_space=pltpu.VMEM),
        ],
        scratch_shapes=[
            pltpu.VMEM((SEQ, GATES), jnp.float32),
        ],
    )(rows, W_ih, W_hh, b_ih, b_hh, W_out, b_out)


def kernel(inputs, emb, W_ih, W_hh, b_ih, b_hh, W_out, b_out):
    idx = inputs.astype(jnp.int32)
    embeddings = _sc_gather(emb, idx)
    x = _lstm(embeddings, W_ih, W_hh, b_ih, b_hh, W_out, b_out)
    return (x, embeddings)

# --- scband reference (transcript-rebuilt; emitter-appended) ---
"""Pipeline reference for scband-model-77197742178368 (READ-ONLY COPY).

The authoritative reference and input builder live on the scoring server;
editing this copy changes nothing except your own understanding.
"""

import jax, jax.numpy as jnp
import numpy as np

EMBED_DIM = 64
HIDDEN_DIM = 128
VOCAB_LIMIT = 100000
SEQ_LEN = 200


def setup_inputs(seed: int = 0) -> dict:
    key = jax.random.key(seed)
    ks = jax.random.split(key, 8)
    inputs = jax.random.randint(ks[0], (SEQ_LEN,), 0, VOCAB_LIMIT)
    emb = jax.random.normal(ks[1], (VOCAB_LIMIT + 1, EMBED_DIM), dtype=jnp.float32)
    s = 1.0 / np.sqrt(HIDDEN_DIM)
    W_ih = jax.random.uniform(ks[2], (4 * HIDDEN_DIM, EMBED_DIM), minval=-s, maxval=s, dtype=jnp.float32)
    W_hh = jax.random.uniform(ks[3], (4 * HIDDEN_DIM, HIDDEN_DIM), minval=-s, maxval=s, dtype=jnp.float32)
    b_ih = jax.random.uniform(ks[4], (4 * HIDDEN_DIM,), minval=-s, maxval=s, dtype=jnp.float32)
    b_hh = jax.random.uniform(ks[5], (4 * HIDDEN_DIM,), minval=-s, maxval=s, dtype=jnp.float32)
    so = 1.0 / np.sqrt(HIDDEN_DIM)
    W_out = jax.random.uniform(ks[6], (2, HIDDEN_DIM), minval=-so, maxval=so, dtype=jnp.float32)
    b_out = jax.random.uniform(ks[7], (2,), minval=-so, maxval=so, dtype=jnp.float32)
    return {"inputs": inputs, "emb": emb, "W_ih": W_ih, "W_hh": W_hh, "b_ih": b_ih, "b_hh": b_hh, "W_out": W_out, "b_out": b_out}


def reference(inputs, emb, W_ih, W_hh, b_ih, b_hh, W_out, b_out):
    # Embedding lookup (SparseCore gather), reshape to (seq, batch=1, embed)
    embeddings = jnp.take(emb, inputs, axis=0).reshape(inputs.shape[0], 1, -1)

    # LSTM (single layer, batch=1), PyTorch gate order: i, f, g, o
    h0 = jnp.zeros((1, HIDDEN_DIM), dtype=jnp.float32)
    c0 = jnp.zeros((1, HIDDEN_DIM), dtype=jnp.float32)

    def step(carry, xt):
        h, c = carry
        gates = xt @ W_ih.T + b_ih + h @ W_hh.T + b_hh
        i, f, g, o = jnp.split(gates, 4, axis=-1)
        i = jax.nn.sigmoid(i)
        f = jax.nn.sigmoid(f)
        g = jnp.tanh(g)
        o = jax.nn.sigmoid(o)
        c_new = f * c + i * g
        h_new = o * jnp.tanh(c_new)
        return (h_new, c_new), h_new

    (_, _), hs = jax.lax.scan(step, (h0, c0), embeddings)
    last = hs[-1]  # (1, HIDDEN_DIM)
    x = last @ W_out.T + b_out  # (1, 2)
    return (x, embeddings)

if __name__ == "__main__":
    import jax
    _d = setup_inputs()
    print(jax.jit(kernel)(*tuple(_d.values())))

</pallas_src>

<mosaic_0001>
#map = affine_map<(d0, d1) -> (0, 0)>
#map1 = affine_map<(d0, d1) -> (0)>
#map2 = affine_map<(d0, d1) -> (0, 0, 0)>
module attributes {stable_mosaic.version = 14 : i64} {
  func.func @_sc_gather_body(%arg0: i32, %arg1: i32, %arg2: memref<100001x64xf32, #tpu.memory_space<hbm>>, %arg3: memref<200xi32, #tpu.memory_space<hbm>>, %arg4: memref<200x1x64xf32, #tpu.memory_space<hbm>>, %arg5: memref<8xi32, #tpu.memory_space<vmem>>, %arg6: memref<8x64xf32, #tpu.memory_space<vmem>>, %arg7: memref<!tpu.dma_semaphore, #tpu.memory_space<semaphore_mem>>) attributes {dimension_semantics = [#tpu.dimension_semantics<core_parallel>, #tpu.dimension_semantics<subcore_parallel>], iteration_bounds = array<i64: 2, 16>, scalar_prefetch = 0 : i64, scratch_operands = 3 : i64, tpu.core_type = #tpu.core_type<sc_vector_subcore>, window_params = [{transform_indices = #map}, {transform_indices = #map1}, {transform_indices = #map2}]} {
    %mul3A = arith.constant 2 : i32
    %mul3A_0 = arith.muli %arg1, %mul3A : i32
    %add3A = arith.addi %mul3A_0, %arg0 : i32
    %lt3A = arith.constant 25 : i32
    %lt3A_1 = arith.cmpi slt, %add3A, %lt3A : i32
    %convert_element_type3A = arith.extui %lt3A_1 : i1 to i32
    %cond3A = arith.constant 0 : i32
    %cond3A_2 = arith.cmpi ne, %convert_element_type3A, %cond3A : i32
    scf.if %cond3A_2 {
      %mul3A_3 = arith.constant 8 : i32
      %mul3A_4 = arith.muli %add3A, %mul3A_3 : i32
      "tpu.region"() ({
        %run_scoped3A_9 = tpu.sem_alloc : memref<!tpu.dma_semaphore, #tpu.memory_space<semaphore_mem>>
        %dma_start3A_10 = tpu.memref_slice %arg3[%mul3A_4] : memref<200xi32, #tpu.memory_space<hbm>> -> memref<8xi32, #tpu.memory_space<hbm>>
        %dma_start3A_11 = tpu.memref_slice %arg3[%mul3A_4] : memref<200xi32, #tpu.memory_space<hbm>> -> memref<8xi32, #tpu.memory_space<hbm>>
        tpu.enqueue_dma source(%dma_start3A_11 : memref<8xi32, #tpu.memory_space<hbm>>) target(%arg5 : memref<8xi32, #tpu.memory_space<vmem>>) target_semaphore(%run_scoped3A_9 : memref<!tpu.dma_semaphore, #tpu.memory_space<semaphore_mem>>)
        %dma_wait3A_12 = tpu.memref_slice %arg3[%mul3A_4] : memref<200xi32, #tpu.memory_space<hbm>> -> memref<8xi32, #tpu.memory_space<hbm>>
        %dma_wait3A_13 = tpu.memref_slice %arg3[%mul3A_4] : memref<200xi32, #tpu.memory_space<hbm>> -> memref<8xi32, #tpu.memory_space<hbm>>
        tpu.wait_dma2 semaphore(%run_scoped3A_9 : memref<!tpu.dma_semaphore, #tpu.memory_space<semaphore_mem>>) src(%dma_wait3A_13 : memref<8xi32, #tpu.memory_space<hbm>>) dst(%arg5 : memref<8xi32, #tpu.memory_space<vmem>>)
        tpu.yield
      }) : () -> ()
      %dma_start3A = arith.constant 0 : i32
      %dma_start3A_5 = arith.constant 0 : i32
      %dma_start3A_6 = tpu.memref_slice %arg2[%dma_start3A, %dma_start3A_5] : memref<100001x64xf32, #tpu.memory_space<hbm>> -> memref<100001x64xf32, #tpu.memory_space<hbm>>
      tpu.enqueue_indirect_dma source(%dma_start3A_6 : memref<100001x64xf32, #tpu.memory_space<hbm>>) target(%arg6 : memref<8x64xf32, #tpu.memory_space<vmem>>) offsets(%arg5 : memref<8xi32, #tpu.memory_space<vmem>>) semaphore(%arg7 : memref<!tpu.dma_semaphore, #tpu.memory_space<semaphore_mem>>)
      %dma_wait3A = arith.constant 0 : i32
      %dma_wait3A_7 = arith.constant 0 : i32
      %dma_wait3A_8 = tpu.memref_slice %arg2[%dma_wait3A, %dma_wait3A_7] : memref<100001x64xf32, #tpu.memory_space<hbm>> -> memref<100001x64xf32, #tpu.memory_space<hbm>>
      tpu.wait_indirect_dma semaphore(%arg7 : memref<!tpu.dma_semaphore, #tpu.memory_space<semaphore_mem>>) src(%dma_wait3A_8 : memref<100001x64xf32, #tpu.memory_space<hbm>>) dst(%arg6 : memref<8x64xf32, #tpu.memory_space<vmem>>)
      %run_scoped3A = arith.constant 0 : i32
      "tpu.region"() ({
        %run_scoped3A_9 = tpu.sem_alloc : memref<!tpu.dma_semaphore, #tpu.memory_space<semaphore_mem>>
        %dma_start3A_10 = arith.constant 0 : i32
        %dma_start3A_11 = tpu.memref_slice %arg4[%mul3A_4, %run_scoped3A, %dma_start3A_10] : memref<200x1x64xf32, #tpu.memory_space<hbm>> -> memref<8x1x64xf32, #tpu.memory_space<hbm>>
        %dma_start3A_12 = tpu.memref_squeeze %dma_start3A_11 : memref<8x1x64xf32, #tpu.memory_space<hbm>> -> memref<8x64xf32, #tpu.memory_space<hbm>>
        %dma_start3A_13 = arith.constant 0 : i32
        %dma_start3A_14 = tpu.memref_slice %arg4[%mul3A_4, %run_scoped3A, %dma_start3A_13] : memref<200x1x64xf32, #tpu.memory_space<hbm>> -> memref<8x1x64xf32, #tpu.memory_space<hbm>>
        %dma_start3A_15 = tpu.memref_squeeze %dma_start3A_14 : memref<8x1x64xf32, #tpu.memory_space<hbm>> -> memref<8x64xf32, #tpu.memory_space<hbm>>
        tpu.enqueue_dma source(%arg6 : memref<8x64xf32, #tpu.memory_space<vmem>>) target(%dma_start3A_15 : memref<8x64xf32, #tpu.memory_space<hbm>>) target_semaphore(%run_scoped3A_9 : memref<!tpu.dma_semaphore, #tpu.memory_space<semaphore_mem>>)
        %dma_wait3A_16 = arith.constant 0 : i32
        %dma_wait3A_17 = tpu.memref_slice %arg4[%mul3A_4, %run_scoped3A, %dma_wait3A_16] : memref<200x1x64xf32, #tpu.memory_space<hbm>> -> memref<8x1x64xf32, #tpu.memory_space<hbm>>
        %dma_wait3A_18 = tpu.memref_squeeze %dma_wait3A_17 : memref<8x1x64xf32, #tpu.memory_space<hbm>> -> memref<8x64xf32, #tpu.memory_space<hbm>>
        %dma_wait3A_19 = arith.constant 0 : i32
        %dma_wait3A_20 = tpu.memref_slice %arg4[%mul3A_4, %run_scoped3A, %dma_wait3A_19] : memref<200x1x64xf32, #tpu.memory_space<hbm>> -> memref<8x1x64xf32, #tpu.memory_space<hbm>>
        %dma_wait3A_21 = tpu.memref_squeeze %dma_wait3A_20 : memref<8x1x64xf32, #tpu.memory_space<hbm>> -> memref<8x64xf32, #tpu.memory_space<hbm>>
        tpu.wait_dma2 semaphore(%run_scoped3A_9 : memref<!tpu.dma_semaphore, #tpu.memory_space<semaphore_mem>>) src(%arg6 : memref<8x64xf32, #tpu.memory_space<vmem>>) dst(%dma_wait3A_21 : memref<8x64xf32, #tpu.memory_space<hbm>>)
        tpu.yield
      }) : () -> ()
    } else {
    }
    return
  }
}

module attributes {stable_mosaic.version = 14 : i64} {
  func.func @_lstm_body(%arg0: memref<200x1x64xf32, #tpu.memory_space<vmem>>, %arg1: memref<512x64xf32, #tpu.memory_space<vmem>>, %arg2: memref<512x128xf32, #tpu.memory_space<vmem>>, %arg3: memref<512xf32, #tpu.memory_space<vmem>>, %arg4: memref<512xf32, #tpu.memory_space<vmem>>, %arg5: memref<2x128xf32, #tpu.memory_space<vmem>>, %arg6: memref<2xf32, #tpu.memory_space<vmem>>, %arg7: memref<1x2xf32, #tpu.memory_space<vmem>>, %arg8: memref<200x512xf32, #tpu.memory_space<vmem>>) attributes {dimension_semantics = [], scalar_prefetch = 0 : i64, scratch_operands = 1 : i64, tpu.core_type = #tpu.core_type<tc>} {
    %get3A = arith.constant 0 : index
    %get3A_0 = vector.load %arg3[%get3A] : memref<512xf32, #tpu.memory_space<vmem>>, vector<512xf32>
    %get3A_1 = arith.constant 0 : index
    %get3A_2 = vector.load %arg4[%get3A_1] : memref<512xf32, #tpu.memory_space<vmem>>, vector<512xf32>
    %add3A = arith.addf %get3A_0, %get3A_2 : vector<512xf32>
    %reshape3A = vector.shape_cast %add3A : vector<512xf32> to vector<1x512xf32>
    %get3A_3 = arith.constant 0 : index
    %get3A_4 = arith.constant 0 : index
    %get3A_5 = arith.constant 0 : index
    %get3A_6 = vector.load %arg0[%get3A_3, %get3A_4, %get3A_5] : memref<200x1x64xf32, #tpu.memory_space<vmem>>, vector<200x1x64xf32>
    %reshape3A_7 = vector.shape_cast %get3A_6 : vector<200x1x64xf32> to vector<200x64xf32>
    %get3A_8 = arith.constant 0 : index
    %get3A_9 = arith.constant 0 : index
    %get3A_10 = vector.load %arg1[%get3A_8, %get3A_9] : memref<512x64xf32, #tpu.memory_space<vmem>>, vector<512x64xf32>
    %dot_general3A = arith.constant dense<0.000000e+00> : vector<200x512xf32>
    %dot_general3A_11 = tpu.matmul %reshape3A_7, %get3A_10, %dot_general3A {dimension_numbers = #tpu.dot_dimension_numbers<[1], [1], [0], [0], [0, 0, 1, 0], [], []>, transpose_lhs_hint = false} : vector<200x64xf32>, vector<512x64xf32>, vector<200x512xf32> -> vector<200x512xf32>
    %add3A_12 = vector.broadcast %reshape3A : vector<1x512xf32> to vector<200x512xf32>
    %add3A_13 = arith.addf %dot_general3A_11, %add3A_12 : vector<200x512xf32>
    %swap3A = arith.constant 0 : index
    %swap3A_14 = arith.constant 0 : index
    %swap3A_15 = vector.load %arg8[%swap3A, %swap3A_14] : memref<200x512xf32, #tpu.memory_space<vmem>>, vector<200x512xf32>
    tpu.vector_store %arg8[%swap3A, %swap3A_14], %add3A_13 {strides = array<i32>} : memref<200x512xf32, #tpu.memory_space<vmem>>, vector<200x512xf32>,
    %get3A_16 = arith.constant 0 : index
    %get3A_17 = arith.constant 0 : index
    %get3A_18 = vector.load %arg2[%get3A_16, %get3A_17] : memref<512x128xf32, #tpu.memory_space<vmem>>, vector<512x128xf32>
    %broadcast_in_dim3A = arith.constant 0.000000e+00 : f32
    %broadcast_in_dim3A_19 = vector.broadcast %broadcast_in_dim3A : f32 to vector<1x128xf32>
    %broadcast_in_dim3A_20 = arith.constant 0.000000e+00 : f32
    %broadcast_in_dim3A_21 = vector.broadcast %broadcast_in_dim3A_20 : f32 to vector<1x128xf32>
    %scan3A = arith.constant 0 : i32
    %scan3A_22 = arith.constant 200 : i32
    %scan3A_23 = arith.addi %scan3A, %scan3A_22 : i32
    %scan3A_24 = arith.constant 25 : i32
    %scan3A_25:2 = scf.for %scan3A_39 = %scan3A to %scan3A_23 step %scan3A_24 iter_args(%scan3A_40 = %broadcast_in_dim3A_19, %scan3A_41 = %broadcast_in_dim3A_21) -> (vector<1x128xf32>, vector<1x128xf32>)  : i32 {
      %get3A_42 = arith.index_cast %scan3A_39 : i32 to index
      %get3A_43 = arith.constant 0 : index
      %get3A_44 = vector.load %arg8[%get3A_42, %get3A_43] : memref<200x512xf32, #tpu.memory_space<vmem>>, vector<1x512xf32>
      %dot_general3A_45 = arith.constant dense<0.000000e+00> : vector<1x512xf32>
      %dot_general3A_46 = tpu.matmul %scan3A_40, %get3A_18, %dot_general3A_45 {dimension_numbers = #tpu.dot_dimension_numbers<[1], [1], [0], [0], [0, 0, 1, 0], [], []>, transpose_lhs_hint = false} : vector<1x128xf32>, vector<512x128xf32>, vector<1x512xf32> -> vector<1x512xf32>
      %add3A_47 = arith.addf %get3A_44, %dot_general3A_46 : vector<1x512xf32>
      %slice3A = vector.extract_strided_slice %add3A_47 {offsets = [0, 0], sizes = [1, 128], strides = [1, 1]} : vector<1x512xf32> to vector<1x128xf32>
      %logistic3A = arith.negf %slice3A : vector<1x128xf32>
      %logistic3A_48 = math.exp %logistic3A : vector<1x128xf32>
      %logistic3A_49 = arith.constant 1.000000e+00 : f32
      %logistic3A_50 = vector.broadcast %logistic3A_49 : f32 to vector<1x128xf32>
      %logistic3A_51 = arith.addf %logistic3A_50, %logistic3A_48 : vector<1x128xf32>
      %logistic3A_52 = arith.divf %logistic3A_50, %logistic3A_51 : vector<1x128xf32>
      %slice3A_53 = vector.extract_strided_slice %add3A_47 {offsets = [0, 128], sizes = [1, 128], strides = [1, 1]} : vector<1x512xf32> to vector<1x128xf32>
      %logistic3A_54 = arith.negf %slice3A_53 : vector<1x128xf32>
      %logistic3A_55 = math.exp %logistic3A_54 : vector<1x128xf32>
      %logistic3A_56 = arith.constant 1.000000e+00 : f32
      %logistic3A_57 = vector.broadcast %logistic3A_56 : f32 to vector<1x128xf32>
      %logistic3A_58 = arith.addf %logistic3A_57, %logistic3A_55 : vector<1x128xf32>
      %logistic3A_59 = arith.divf %logistic3A_57, %logistic3A_58 : vector<1x128xf32>
      %slice3A_60 = vector.extract_strided_slice %add3A_47 {offsets = [0, 256], sizes = [1, 128], strides = [1, 1]} : vector<1x512xf32> to vector<1x128xf32>
      %tanh3A = math.tanh %slice3A_60 : vector<1x128xf32>
      %slice3A_61 = vector.extract_strided_slice %add3A_47 {offsets = [0, 384], sizes = [1, 128], strides = [1, 1]} : vector<1x512xf32> to vector<1x128xf32>
      %logistic3A_62 = arith.negf %slice3A_61 : vector<1x128xf32>
      %logistic3A_63 = math.exp %logistic3A_62 : vector<1x128xf32>
      %logistic3A_64 = arith.constant 1.000000e+00 : f32
      %logistic3A_65 = vector.broadcast %logistic3A_64 : f32 to vector<1x128xf32>
      %logistic3A_66 = arith.addf %logistic3A_65, %logistic3A_63 : vector<1x128xf32>
      %logistic3A_67 = arith.divf %logistic3A_65, %logistic3A_66 : vector<1x128xf32>
      %mul3A = arith.mulf %logistic3A_59, %scan3A_41 : vector<1x128xf32>
      %mul3A_68 = arith.mulf %logistic3A_52, %tanh3A : vector<1x128xf32>
      %add3A_69 = arith.addf %mul3A, %mul3A_68 : vector<1x128xf32>
      %tanh3A_70 = math.tanh %add3A_69 : vector<1x128xf32>
      %mul3A_71 = arith.mulf %logistic3A_67, %tanh3A_70 : vector<1x128xf32>
      %scan3A_72 = arith.constant 1 : i32
      %scan3A_73 = arith.addi %scan3A_39, %scan3A_72 : i32
      %get3A_74 = arith.index_cast %scan3A_73 : i32 to index
      %get3A_75 = arith.constant 0 : index
      %get3A_76 = vector.load %arg8[%get3A_74, %get3A_75] : memref<200x512xf32, #tpu.memory_space<vmem>>, vector<1x512xf32>
      %dot_general3A_77 = arith.constant dense<0.000000e+00> : vector<1x512xf32>
      %dot_general3A_78 = tpu.matmul %mul3A_71, %get3A_18, %dot_general3A_77 {dimension_numbers = #tpu.dot_dimension_numbers<[1], [1], [0], [0], [0, 0, 1, 0], [], []>, transpose_lhs_hint = false} : vector<1x128xf32>, vector<512x128xf32>, vector<1x512xf32> -> vector<1x512xf32>
      %add3A_79 = arith.addf %get3A_76, %dot_general3A_78 : vector<1x512xf32>
      %slice3A_80 = vector.extract_strided_slice %add3A_79 {offsets = [0, 0], sizes = [1, 128], strides = [1, 1]} : vector<1x512xf32> to vector<1x128xf32>
      %logistic3A_81 = arith.negf %slice3A_80 : vector<1x128xf32>
      %logistic3A_82 = math.exp %logistic3A_81 : vector<1x128xf32>
      %logistic3A_83 = arith.constant 1.000000e+00 : f32
      %logistic3A_84 = vector.broadcast %logistic3A_83 : f32 to vector<1x128xf32>
      %logistic3A_85 = arith.addf %logistic3A_84, %logistic3A_82 : vector<1x128xf32>
      %logistic3A_86 = arith.divf %logistic3A_84, %logistic3A_85 : vector<1x128xf32>
      %slice3A_87 = vector.extract_strided_slice %add3A_79 {offsets = [0, 128], sizes = [1, 128], strides = [1, 1]} : vector<1x512xf32> to vector<1x128xf32>
      %logistic3A_88 = arith.negf %slice3A_87 : vector<1x128xf32>
      %logistic3A_89 = math.exp %logistic3A_88 : vector<1x128xf32>
      %logistic3A_90 = arith.constant 1.000000e+00 : f32
      %logistic3A_91 = vector.broadcast %logistic3A_90 : f32 to vector<1x128xf32>
      %logistic3A_92 = arith.addf %logistic3A_91, %logistic3A_89 : vector<1x128xf32>
      %logistic3A_93 = arith.divf %logistic3A_91, %logistic3A_92 : vector<1x128xf32>
      %slice3A_94 = vector.extract_strided_slice %add3A_79 {offsets = [0, 256], sizes = [1, 128], strides = [1, 1]} : vector<1x512xf32> to vector<1x128xf32>
      %tanh3A_95 = math.tanh %slice3A_94 : vector<1x128xf32>
      %slice3A_96 = vector.extract_strided_slice %add3A_79 {offsets = [0, 384], sizes = [1, 128], strides = [1, 1]} : vector<1x512xf32> to vector<1x128xf32>
      %logistic3A_97 = arith.negf %slice3A_96 : vector<1x128xf32>
      %logistic3A_98 = math.exp %logistic3A_97 : vector<1x128xf32>
      %logistic3A_99 = arith.constant 1.000000e+00 : f32
      %logistic3A_100 = vector.broadcast %logistic3A_99 : f32 to vector<1x128xf32>
      %logistic3A_101 = arith.addf %logistic3A_100, %logistic3A_98 : vector<1x128xf32>
      %logistic3A_102 = arith.divf %logistic3A_100, %logistic3A_101 : vector<1x128xf32>
      %mul3A_103 = arith.mulf %logistic3A_93, %add3A_69 : vector<1x128xf32>
      %mul3A_104 = arith.mulf %logistic3A_86, %tanh3A_95 : vector<1x128xf32>
      %add3A_105 = arith.addf %mul3A_103, %mul3A_104 : vector<1x128xf32>
      %tanh3A_106 = math.tanh %add3A_105 : vector<1x128xf32>
      %mul3A_107 = arith.mulf %logistic3A_102, %tanh3A_106 : vector<1x128xf32>
      %scan3A_108 = arith.constant 2 : i32
      %scan3A_109 = arith.addi %scan3A_39, %scan3A_108 : i32
      %get3A_110 = arith.index_cast %scan3A_109 : i32 to index
      %get3A_111 = arith.constant 0 : index
      %get3A_112 = vector.load %arg8[%get3A_110, %get3A_111] : memref<200x512xf32, #tpu.memory_space<vmem>>, vector<1x512xf32>
      %dot_general3A_113 = arith.constant dense<0.000000e+00> : vector<1x512xf32>
      %dot_general3A_114 = tpu.matmul %mul3A_107, %get3A_18, %dot_general3A_113 {dimension_numbers = #tpu.dot_dimension_numbers<[1], [1], [0], [0], [0, 0, 1, 0], [], []>, transpose_lhs_hint = false} : vector<1x128xf32>, vector<512x128xf32>, vector<1x512xf32> -> vector<1x512xf32>
      %add3A_115 = arith.addf %get3A_112, %dot_general3A_114 : vector<1x512xf32>
      %slice3A_116 = vector.extract_strided_slice %add3A_115 {offsets = [0, 0], sizes = [1, 128], strides = [1, 1]} : vector<1x512xf32> to vector<1x128xf32>
      %logistic3A_117 = arith.negf %slice3A_116 : vector<1x128xf32>
      %logistic3A_118 = math.exp %logistic3A_117 : vector<1x128xf32>
      %logistic3A_119 = arith.constant 1.000000e+00 : f32
      %logistic3A_120 = vector.broadcast %logistic3A_119 : f32 to vector<1x128xf32>
      %logistic3A_121 = arith.addf %logistic3A_120, %logistic3A_118 : vector<1x128xf32>
      %logistic3A_122 = arith.divf %logistic3A_120, %logistic3A_121 : vector<1x128xf32>
      %slice3A_123 = vector.extract_strided_slice %add3A_115 {offsets = [0, 128], sizes = [1, 128], strides = [1, 1]} : vector<1x512xf32> to vector<1x128xf32>
      %logistic3A_124 = arith.negf %slice3A_123 : vector<1x128xf32>
      %logistic3A_125 = math.exp %logistic3A_124 : vector<1x128xf32>
      %logistic3A_126 = arith.constant 1.000000e+00 : f32
      %logistic3A_127 = vector.broadcast %logistic3A_126 : f32 to vector<1x128xf32>
      %logistic3A_128 = arith.addf %logistic3A_127, %logistic3A_125 : vector<1x128xf32>
      %logistic3A_129 = arith.divf %logistic3A_127, %logistic3A_128 : vector<1x128xf32>
      %slice3A_130 = vector.extract_strided_slice %add3A_115 {offsets = [0, 256], sizes = [1, 128], strides = [1, 1]} : vector<1x512xf32> to vector<1x128xf32>
      %tanh3A_131 = math.tanh %slice3A_130 : vector<1x128xf32>
      %slice3A_132 = vector.extract_strided_slice %add3A_115 {offsets = [0, 384], sizes = [1, 128], strides = [1, 1]} : vector<1x512xf32> to vector<1x128xf32>
      %logistic3A_133 = arith.negf %slice3A_132 : vector<1x128xf32>
      %logistic3A_134 = math.exp %logistic3A_133 : vector<1x128xf32>
      %logistic3A_135 = arith.constant 1.000000e+00 : f32
      %logistic3A_136 = vector.broadcast %logistic3A_135 : f32 to vector<1x128xf32>
      %logistic3A_137 = arith.addf %logistic3A_136, %logistic3A_134 : vector<1x128xf32>
      %logistic3A_138 = arith.divf %logistic3A_136, %logistic3A_137 : vector<1x128xf32>
      %mul3A_139 = arith.mulf %logistic3A_129, %add3A_105 : vector<1x128xf32>
      %mul3A_140 = arith.mulf %logistic3A_122, %tanh3A_131 : vector<1x128xf32>
      %add3A_141 = arith.addf %mul3A_139, %mul3A_140 : vector<1x128xf32>
      %tanh3A_142 = math.tanh %add3A_141 : vector<1x128xf32>
      %mul3A_143 = arith.mulf %logistic3A_138, %tanh3A_142 : vector<1x128xf32>
      %scan3A_144 = arith.constant 3 : i32
      %scan3A_145 = arith.addi %scan3A_39, %scan3A_144 : i32
      %get3A_146 = arith.index_cast %scan3A_145 : i32 to index
      %get3A_147 = arith.constant 0 : index
      %get3A_148 = vector.load %arg8[%get3A_146, %get3A_147] : memref<200x512xf32, #tpu.memory_space<vmem>>, vector<1x512xf32>
      %dot_general3A_149 = arith.constant dense<0.000000e+00> : vector<1x512xf32>
      %dot_general3A_150 = tpu.matmul %mul3A_143, %get3A_18, %dot_general3A_149 {dimension_numbers = #tpu.dot_dimension_numbers<[1], [1], [0], [0], [0, 0, 1, 0], [], []>, transpose_lhs_hint = false} : vector<1x128xf32>, vector<512x128xf32>, vector<1x512xf32> -> vector<1x512xf32>
      %add3A_151 = arith.addf %get3A_148, %dot_general3A_150 : vector<1x512xf32>
      %slice3A_152 = vector.extract_strided_slice %add3A_151 {offsets = [0, 0], sizes = [1, 128], strides = [1, 1]} : vector<1x512xf32> to vector<1x128xf32>
      %logistic3A_153 = arith.negf %slice3A_152 : vector<1x128xf32>
      %logistic3A_154 = math.exp %logistic3A_153 : vector<1x128xf32>
      %logistic3A_155 = arith.constant 1.000000e+00 : f32
      %logistic3A_156 = vector.broadcast %logistic3A_155 : f32 to vector<1x128xf32>
      %logistic3A_157 = arith.addf %logistic3A_156, %logistic3A_154 : vector<1x128xf32>
      %logistic3A_158 = arith.divf %logistic3A_156, %logistic3A_157 : vector<1x128xf32>
      %slice3A_159 = vector.extract_strided_slice %add3A_151 {offsets = [0, 128], sizes = [1, 128], strides = [1, 1]} : vector<1x512xf32> to vector<1x128xf32>
      %logistic3A_160 = arith.negf %slice3A_159 : vector<1x128xf32>
      %logistic3A_161 = math.exp %logistic3A_160 : vector<1x128xf32>
      %logistic3A_162 = arith.constant 1.000000e+00 : f32
      %logistic3A_163 = vector.broadcast %logistic3A_162 : f32 to vector<1x128xf32>
      %logistic3A_164 = arith.addf %logistic3A_163, %logistic3A_161 : vector<1x128xf32>
      %logistic3A_165 = arith.divf %logistic3A_163, %logistic3A_164 : vector<1x128xf32>
      %slice3A_166 = vector.extract_strided_slice %add3A_151 {offsets = [0, 256], sizes = [1, 128], strides = [1, 1]} : vector<1x512xf32> to vector<1x128xf32>
      %tanh3A_167 = math.tanh %slice3A_166 : vector<1x128xf32>
      %slice3A_168 = vector.extract_strided_slice %add3A_151 {offsets = [0, 384], sizes = [1, 128], strides = [1, 1]} : vector<1x512xf32> to vector<1x128xf32>
      %logistic3A_169 = arith.negf %slice3A_168 : vector<1x128xf32>
      %logistic3A_170 = math.exp %logistic3A_169 : vector<1x128xf32>
      %logistic3A_171 = arith.constant 1.000000e+00 : f32
      %logistic3A_172 = vector.broadcast %logistic3A_171 : f32 to vector<1x128xf32>
      %logistic3A_173 = arith.addf %logistic3A_172, %logistic3A_170 : vector<1x128xf32>
      %logistic3A_174 = arith.divf %logistic3A_172, %logistic3A_173 : vector<1x128xf32>
      %mul3A_175 = arith.mulf %logistic3A_165, %add3A_141 : vector<1x128xf32>
      %mul3A_176 = arith.mulf %logistic3A_158, %tanh3A_167 : vector<1x128xf32>
      %add3A_177 = arith.addf %mul3A_175, %mul3A_176 : vector<1x128xf32>
      %tanh3A_178 = math.tanh %add3A_177 : vector<1x128xf32>
      %mul3A_179 = arith.mulf %logistic3A_174, %tanh3A_178 : vector<1x128xf32>
      %scan3A_180 = arith.constant 4 : i32
      %scan3A_181 = arith.addi %scan3A_39, %scan3A_180 : i32
      %get3A_182 = arith.index_cast %scan3A_181 : i32 to index
      %get3A_183 = arith.constant 0 : index
      %get3A_184 = vector.load %arg8[%get3A_182, %get3A_183] : memref<200x512xf32, #tpu.memory_space<vmem>>, vector<1x512xf32>
      %dot_general3A_185 = arith.constant dense<0.000000e+00> : vector<1x512xf32>
      %dot_general3A_186 = tpu.matmul %mul3A_179, %get3A_18, %dot_general3A_185 {dimension_numbers = #tpu.dot_dimension_numbers<[1], [1], [0], [0], [0, 0, 1, 0], [], []>, transpose_lhs_hint = false} : vector<1x128xf32>, vector<512x128xf32>, vector<1x512xf32> -> vector<1x512xf32>
      %add3A_187 = arith.addf %get3A_184, %dot_general3A_186 : vector<1x512xf32>
      %slice3A_188 = vector.extract_strided_slice %add3A_187 {offsets = [0, 0], sizes = [1, 128], strides = [1, 1]} : vector<1x512xf32> to vector<1x128xf32>
      %logistic3A_189 = arith.negf %slice3A_188 : vector<1x128xf32>
      %logistic3A_190 = math.exp %logistic3A_189 : vector<1x128xf32>
      %logistic3A_191 = arith.constant 1.000000e+00 : f32
      %logistic3A_192 = vector.broadcast %logistic3A_191 : f32 to vector<1x128xf32>
      %logistic3A_193 = arith.addf %logistic3A_192, %logistic3A_190 : vector<1x128xf32>
      %logistic3A_194 = arith.divf %logistic3A_192, %logistic3A_193 : vector<1x128xf32>
      %slice3A_195 = vector.extract_strided_slice %add3A_187 {offsets = [0, 128], sizes = [1, 128], strides = [1, 1]} : vector<1x512xf32> to vector<1x128xf32>
      %logistic3A_196 = arith.negf %slice3A_195 : vector<1x128xf32>
      %logistic3A_197 = math.exp %logistic3A_196 : vector<1x128xf32>
      %logistic3A_198 = arith.constant 1.000000e+00 : f32
      %logistic3A_199 = vector.broadcast %logistic3A_198 : f32 to vector<1x128xf32>
      %logistic3A_200 = arith.addf %logistic3A_199, %logistic3A_197 : vector<1x128xf32>
      %logistic3A_201 = arith.divf %logistic3A_199, %logistic3A_200 : vector<1x128xf32>
      %slice3A_202 = vector.extract_strided_slice %add3A_187 {offsets = [0, 256], sizes = [1, 128], strides = [1, 1]} : vector<1x512xf32> to vector<1x128xf32>
      %tanh3A_203 = math.tanh %slice3A_202 : vector<1x128xf32>
      %slice3A_204 = vector.extract_strided_slice %add3A_187 {offsets = [0, 384], sizes = [1, 128], strides = [1, 1]} : vector<1x512xf32> to vector<1x128xf32>
      %logistic3A_205 = arith.negf %slice3A_204 : vector<1x128xf32>
      %logistic3A_206 = math.exp %logistic3A_205 : vector<1x128xf32>
      %logistic3A_207 = arith.constant 1.000000e+00 : f32
      %logistic3A_208 = vector.broadcast %logistic3A_207 : f32 to vector<1x128xf32>
      %logistic3A_209 = arith.addf %logistic3A_208, %logistic3A_206 : vector<1x128xf32>
      %logistic3A_210 = arith.divf %logistic3A_208, %logistic3A_209 : vector<1x128xf32>
      %mul3A_211 = arith.mulf %logistic3A_201, %add3A_177 : vector<1x128xf32>
      %mul3A_212 = arith.mulf %logistic3A_194, %tanh3A_203 : vector<1x128xf32>
      %add3A_213 = arith.addf %mul3A_211, %mul3A_212 : vector<1x128xf32>
      %tanh3A_214 = math.tanh %add3A_213 : vector<1x128xf32>
      %mul3A_215 = arith.mulf %logistic3A_210, %tanh3A_214 : vector<1x128xf32>
      %scan3A_216 = arith.constant 5 : i32
      %scan3A_217 = arith.addi %scan3A_39, %scan3A_216 : i32
      %get3A_218 = arith.index_cast %scan3A_217 : i32 to index
      %get3A_219 = arith.constant 0 : index
      %get3A_220 = vector.load %arg8[%get3A_218, %get3A_219] : memref<200x512xf32, #tpu.memory_space<vmem>>, vector<1x512xf32>
      %dot_general3A_221 = arith.constant dense<0.000000e+00> : vector<1x512xf32>
      %dot_general3A_222 = tpu.matmul %mul3A_215, %get3A_18, %dot_general3A_221 {dimension_numbers = #tpu.dot_dimension_numbers<[1], [1], [0], [0], [0, 0, 1, 0], [], []>, transpose_lhs_hint = false} : vector<1x128xf32>, vector<512x128xf32>, vector<1x512xf32> -> vector<1x512xf32>
      %add3A_223 = arith.addf %get3A_220, %dot_general3A_222 : vector<1x512xf32>
      %slice3A_224 = vector.extract_strided_slice %add3A_223 {offsets = [0, 0], sizes = [1, 128], strides = [1, 1]} : vector<1x512xf32> to vector<1x128xf32>
      %logistic3A_225 = arith.negf %slice3A_224 : vector<1x128xf32>
      %logistic3A_226 = math.exp %logistic3A_225 : vector<1x128xf32>
      %logistic3A_227 = arith.constant 1.000000e+00 : f32
      %logistic3A_228 = vector.broadcast %logistic3A_227 : f32 to vector<1x128xf32>
      %logistic3A_229 = arith.addf %logistic3A_228, %logistic3A_226 : vector<1x128xf32>
      %logistic3A_230 = arith.divf %logistic3A_228, %logistic3A_229 : vector<1x128xf32>
      %slice3A_231 = vector.extract_strided_slice %add3A_223 {offsets = [0, 128], sizes = [1, 128], strides = [1, 1]} : vector<1x512xf32> to vector<1x128xf32>
      %logistic3A_232 = arith.negf %slice3A_231 : vector<1x128xf32>
      %logistic3A_233 = math.exp %logistic3A_232 : vector<1x128xf32>
      %logistic3A_234 = arith.constant 1.000000e+00 : f32
      %logistic3A_235 = vector.broadcast %logistic3A_234 : f32 to vector<1x128xf32>
      %logistic3A_236 = arith.addf %logistic3A_235, %logistic3A_233 : vector<1x128xf32>
      %logistic3A_237 = arith.divf %logistic3A_235, %logistic3A_236 : vector<1x128xf32>
      %slice3A_238 = vector.extract_strided_slice %add3A_223 {offsets = [0, 256], sizes = [1, 128], strides = [1, 1]} : vector<1x512xf32> to vector<1x128xf32>
      %tanh3A_239 = math.tanh %slice3A_238 : vector<1x128xf32>
      %slice3A_240 = vector.extract_strided_slice %add3A_223 {offsets = [0, 384], sizes = [1, 128], strides = [1, 1]} : vector<1x512xf32> to vector<1x128xf32>
      %logistic3A_241 = arith.negf %slice3A_240 : vector<1x128xf32>
      %logistic3A_242 = math.exp %logistic3A_241 : vector<1x128xf32>
      %logistic3A_243 = arith.constant 1.000000e+00 : f32
      %logistic3A_244 = vector.broadcast %logistic3A_243 : f32 to vector<1x128xf32>
      %logistic3A_245 = arith.addf %logistic3A_244, %logistic3A_242 : vector<1x128xf32>
      %logistic3A_246 = arith.divf %logistic3A_244, %logistic3A_245 : vector<1x128xf32>
      %mul3A_247 = arith.mulf %logistic3A_237, %add3A_213 : vector<1x128xf32>
      %mul3A_248 = arith.mulf %logistic3A_230, %tanh3A_239 : vector<1x128xf32>
      %add3A_249 = arith.addf %mul3A_247, %mul3A_248 : vector<1x128xf32>
      %tanh3A_250 = math.tanh %add3A_249 : vector<1x128xf32>
      %mul3A_251 = arith.mulf %logistic3A_246, %tanh3A_250 : vector<1x128xf32>
      %scan3A_252 = arith.constant 6 : i32
      %scan3A_253 = arith.addi %scan3A_39, %scan3A_252 : i32
      %get3A_254 = arith.index_cast %scan3A_253 : i32 to index
      %get3A_255 = arith.constant 0 : index
      %get3A_256 = vector.load %arg8[%get3A_254, %get3A_255] : memref<200x512xf32, #tpu.memory_space<vmem>>, vector<1x512xf32>
      %dot_general3A_257 = arith.constant dense<0.000000e+00> : vector<1x512xf32>
      %dot_general3A_258 = tpu.matmul %mul3A_251, %get3A_18, %dot_general3A_257 {dimension_numbers = #tpu.dot_dimension_numbers<[1], [1], [0], [0], [0, 0, 1, 0], [], []>, transpose_lhs_hint = false} : vector<1x128xf32>, vector<512x128xf32>, vector<1x512xf32> -> vector<1x512xf32>
      %add3A_259 = arith.addf %get3A_256, %dot_general3A_258 : vector<1x512xf32>
      %slice3A_260 = vector.extract_strided_slice %add3A_259 {offsets = [0, 0], sizes = [1, 128], strides = [1, 1]} : vector<1x512xf32> to vector<1x128xf32>
      %logistic3A_261 = arith.negf %slice3A_260 : vector<1x128xf32>
      %logistic3A_262 = math.exp %logistic3A_261 : vector<1x128xf32>
      %logistic3A_263 = arith.constant 1.000000e+00 : f32
      %logistic3A_264 = vector.broadcast %logistic3A_263 : f32 to vector<1x128xf32>
      %logistic3A_265 = arith.addf %logistic3A_264, %logistic3A_262 : vector<1x128xf32>
      %logistic3A_266 = arith.divf %logistic3A_264, %logistic3A_265 : vector<1x128xf32>
      %slice3A_267 = vector.extract_strided_slice %add3A_259 {offsets = [0, 128], sizes = [1, 128], strides = [1, 1]} : vector<1x512xf32> to vector<1x128xf32>
      %logistic3A_268 = arith.negf %slice3A_267 : vector<1x128xf32>
      %logistic3A_269 = math.exp %logistic3A_268 : vector<1x128xf32>
      %logistic3A_270 = arith.constant 1.000000e+00 : f32
      %logistic3A_271 = vector.broadcast %logistic3A_270 : f32 to vector<1x128xf32>
      %logistic3A_272 = arith.addf %logistic3A_271, %logistic3A_269 : vector<1x128xf32>
      %logistic3A_273 = arith.divf %logistic3A_271, %logistic3A_272 : vector<1x128xf32>
      %slice3A_274 = vector.extract_strided_slice %add3A_259 {offsets = [0, 256], sizes = [1, 128], strides = [1, 1]} : vector<1x512xf32> to vector<1x128xf32>
      %tanh3A_275 = math.tanh %slice3A_274 : vector<1x128xf32>
      %slice3A_276 = vector.extract_strided_slice %add3A_259 {offsets = [0, 384], sizes = [1, 128], strides = [1, 1]} : vector<1x512xf32> to vector<1x128xf32>
      %logistic3A_277 = arith.negf %slice3A_276 : vector<1x128xf32>
      %logistic3A_278 = math.exp %logistic3A_277 : vector<1x128xf32>
      %logistic3A_279 = arith.constant 1.000000e+00 : f32
      %logistic3A_280 = vector.broadcast %logistic3A_279 : f32 to vector<1x128xf32>
      %logistic3A_281 = arith.addf %logistic3A_280, %logistic3A_278 : vector<1x128xf32>
      %logistic3A_282 = arith.divf %logistic3A_280, %logistic3A_281 : vector<1x128xf32>
      %mul3A_283 = arith.mulf %logistic3A_273, %add3A_249 : vector<1x128xf32>
      %mul3A_284 = arith.mulf %logistic3A_266, %tanh3A_275 : vector<1x128xf32>
      %add3A_285 = arith.addf %mul3A_283, %mul3A_284 : vector<1x128xf32>
      %tanh3A_286 = math.tanh %add3A_285 : vector<1x128xf32>
      %mul3A_287 = arith.mulf %logistic3A_282, %tanh3A_286 : vector<1x128xf32>
      %scan3A_288 = arith.constant 7 : i32
      %scan3A_289 = arith.addi %scan3A_39, %scan3A_288 : i32
      %get3A_290 = arith.index_cast %scan3A_289 : i32 to index
      %get3A_291 = arith.constant 0 : index
      %get3A_292 = vector.load %arg8[%get3A_290, %get3A_291] : memref<200x512xf32, #tpu.memory_space<vmem>>, vector<1x512xf32>
      %dot_general3A_293 = arith.constant dense<0.000000e+00> : vector<1x512xf32>
      %dot_general3A_294 = tpu.matmul %mul3A_287, %get3A_18, %dot_general3A_293 {dimension_numbers = #tpu.dot_dimension_numbers<[1], [1], [0], [0], [0, 0, 1, 0], [], []>, transpose_lhs_hint = false} : vector<1x128xf32>, vector<512x128xf32>, vector<1x512xf32> -> vector<1x512xf32>
      %add3A_295 = arith.addf %get3A_292, %dot_general3A_294 : vector<1x512xf32>
      %slice3A_296 = vector.extract_strided_slice %add3A_295 {offsets = [0, 0], sizes = [1, 128], strides = [1, 1]} : vector<1x512xf32> to vector<1x128xf32>
      %logistic3A_297 = arith.negf %slice3A_296 : vector<1x128xf32>
      %logistic3A_298 = math.exp %logistic3A_297 : vector<1x128xf32>
      %logistic3A_299 = arith.constant 1.000000e+00 : f32
      %logistic3A_300 = vector.broadcast %logistic3A_299 : f32 to vector<1x128xf32>
      %logistic3A_301 = arith.addf %logistic3A_300, %logistic3A_298 : vector<1x128xf32>
      %logistic3A_302 = arith.divf %logistic3A_300, %logistic3A_301 : vector<1x128xf32>
      %slice3A_303 = vector.extract_strided_slice %add3A_295 {offsets = [0, 128], sizes = [1, 128], strides = [1, 1]} : vector<1x512xf32> to vector<1x128xf32>
      %logistic3A_304 = arith.negf %slice3A_303 : vector<1x128xf32>
      %logistic3A_305 = math.exp %logistic3A_304 : vector<1x128xf32>
      %logistic3A_306 = arith.constant 1.000000e+00 : f32
      %logistic3A_307 = vector.broadcast %logistic3A_306 : f32 to vector<1x128xf32>
      %logistic3A_308 = arith.addf %logistic3A_307, %logistic3A_305 : vector<1x128xf32>
      %logistic3A_309 = arith.divf %logistic3A_307, %logistic3A_308 : vector<1x128xf32>
      %slice3A_310 = vector.extract_strided_slice %add3A_295 {offsets = [0, 256], sizes = [1, 128], strides = [1, 1]} : vector<1x512xf32> to vector<1x128xf32>
      %tanh3A_311 = math.tanh %slice3A_310 : vector<1x128xf32>
      %slice3A_312 = vector.extract_strided_slice %add3A_295 {offsets = [0, 384], sizes = [1, 128], strides = [1, 1]} : vector<1x512xf32> to vector<1x128xf32>
      %logistic3A_313 = arith.negf %slice3A_312 : vector<1x128xf32>
      %logistic3A_314 = math.exp %logistic3A_313 : vector<1x128xf32>
      %logistic3A_315 = arith.constant 1.000000e+00 : f32
      %logistic3A_316 = vector.broadcast %logistic3A_315 : f32 to vector<1x128xf32>
      %logistic3A_317 = arith.addf %logistic3A_316, %logistic3A_314 : vector<1x128xf32>
      %logistic3A_318 = arith.divf %logistic3A_316, %logistic3A_317 : vector<1x128xf32>
      %mul3A_319 = arith.mulf %logistic3A_309, %add3A_285 : vector<1x128xf32>
      %mul3A_320 = arith.mulf %logistic3A_302, %tanh3A_311 : vector<1x128xf32>
      %add3A_321 = arith.addf %mul3A_319, %mul3A_320 : vector<1x128xf32>
      %tanh3A_322 = math.tanh %add3A_321 : vector<1x128xf32>
      %mul3A_323 = arith.mulf %logistic3A_318, %tanh3A_322 : vector<1x128xf32>
      %scan3A_324 = arith.constant 8 : i32
      %scan3A_325 = arith.addi %scan3A_39, %scan3A_324 : i32
      %get3A_326 = arith.index_cast %scan3A_325 : i32 to index
      %get3A_327 = arith.constant 0 : index
      %get3A_328 = vector.load %arg8[%get3A_326, %get3A_327] : memref<200x512xf32, #tpu.memory_space<vmem>>, vector<1x512xf32>
      %dot_general3A_329 = arith.constant dense<0.000000e+00> : vector<1x512xf32>
      %dot_general3A_330 = tpu.matmul %mul3A_323, %get3A_18, %dot_general3A_329 {dimension_numbers = #tpu.dot_dimension_numbers<[1], [1], [0], [0], [0, 0, 1, 0], [], []>, transpose_lhs_hint = false} : vector<1x128xf32>, vector<512x128xf32>, vector<1x512xf32> -> vector<1x512xf32>
      %add3A_331 = arith.addf %get3A_328, %dot_general3A_330 : vector<1x512xf32>
      %slice3A_332 = vector.extract_strided_slice %add3A_331 {offsets = [0, 0], sizes = [1, 128], strides = [1, 1]} : vector<1x512xf32> to vector<1x128xf32>
      %logistic3A_333 = arith.negf %slice3A_332 : vector<1x128xf32>
      %logistic3A_334 = math.exp %logistic3A_333 : vector<1x128xf32>
      %logistic3A_335 = arith.constant 1.000000e+00 : f32
      %logistic3A_336 = vector.broadcast %logistic3A_335 : f32 to vector<1x128xf32>
      %logistic3A_337 = arith.addf %logistic3A_336, %logistic3A_334 : vector<1x128xf32>
      %logistic3A_338 = arith.divf %logistic3A_336, %logistic3A_337 : vector<1x128xf32>
      %slice3A_339 = vector.extract_strided_slice %add3A_331 {offsets = [0, 128], sizes = [1, 128], strides = [1, 1]} : vector<1x512xf32> to vector<1x128xf32>
      %logistic3A_340 = arith.negf %slice3A_339 : vector<1x128xf32>
      %logistic3A_341 = math.exp %logistic3A_340 : vector<1x128xf32>
      %logistic3A_342 = arith.constant 1.000000e+00 : f32
      %logistic3A_343 = vector.broadcast %logistic3A_342 : f32 to vector<1x128xf32>
      %logistic3A_344 = arith.addf %logistic3A_343, %logistic3A_341 : vector<1x128xf32>
      %logistic3A_345 = arith.divf %logistic3A_343, %logistic3A_344 : vector<1x128xf32>
      %slice3A_346 = vector.extract_strided_slice %add3A_331 {offsets = [0, 256], sizes = [1, 128], strides = [1, 1]} : vector<1x512xf32> to vector<1x128xf32>
      %tanh3A_347 = math.tanh %slice3A_346 : vector<1x128xf32>
      %slice3A_348 = vector.extract_strided_slice %add3A_331 {offsets = [0, 384], sizes = [1, 128], strides = [1, 1]} : vector<1x512xf32> to vector<1x128xf32>
      %logistic3A_349 = arith.negf %slice3A_348 : vector<1x128xf32>
      %logistic3A_350 = math.exp %logistic3A_349 : vector<1x128xf32>
      %logistic3A_351 = arith.constant 1.000000e+00 : f32
      %logistic3A_352 = vector.broadcast %logistic3A_351 : f32 to vector<1x128xf32>
      %logistic3A_353 = arith.addf %logistic3A_352, %logistic3A_350 : vector<1x128xf32>
      %logistic3A_354 = arith.divf %logistic3A_352, %logistic3A_353 : vector<1x128xf32>
      %mul3A_355 = arith.mulf %logistic3A_345, %add3A_321 : vector<1x128xf32>
      %mul3A_356 = arith.mulf %logistic3A_338, %tanh3A_347 : vector<1x128xf32>
      %add3A_357 = arith.addf %mul3A_355, %mul3A_356 : vector<1x128xf32>
      %tanh3A_358 = math.tanh %add3A_357 : vector<1x128xf32>
      %mul3A_359 = arith.mulf %logistic3A_354, %tanh3A_358 : vector<1x128xf32>
      %scan3A_360 = arith.constant 9 : i32
      %scan3A_361 = arith.addi %scan3A_39, %scan3A_360 : i32
      %get3A_362 = arith.index_cast %scan3A_361 : i32 to index
      %get3A_363 = arith.constant 0 : index
      %get3A_364 = vector.load %arg8[%get3A_362, %get3A_363] : memref<200x512xf32, #tpu.memory_space<vmem>>, vector<1x512xf32>
      %dot_general3A_365 = arith.constant dense<0.000000e+00> : vector<1x512xf32>
      %dot_general3A_366 = tpu.matmul %mul3A_359, %get3A_18, %dot_general3A_365 {dimension_numbers = #tpu.dot_dimension_numbers<[1], [1], [0], [0], [0, 0, 1, 0], [], []>, transpose_lhs_hint = false} : vector<1x128xf32>, vector<512x128xf32>, vector<1x512xf32> -> vector<1x512xf32>
      %add3A_367 = arith.addf %get3A_364, %dot_general3A_366 : vector<1x512xf32>
      %slice3A_368 = vector.extract_strided_slice %add3A_367 {offsets = [0, 0], sizes = [1, 128], strides = [1, 1]} : vector<1x512xf32> to vector<1x128xf32>
      %logistic3A_369 = arith.negf %slice3A_368 : vector<1x128xf32>
      %logistic3A_370 = math.exp %logistic3A_369 : vector<1x128xf32>
      %logistic3A_371 = arith.constant 1.000000e+00 : f32
      %logistic3A_372 = vector.broadcast %logistic3A_371 : f32 to vector<1x128xf32>
      %logistic3A_373 = arith.addf %logistic3A_372, %logistic3A_370 : vector<1x128xf32>
      %logistic3A_374 = arith.divf %logistic3A_372, %logistic3A_373 : vector<1x128xf32>
      %slice3A_375 = vector.extract_strided_slice %add3A_367 {offsets = [0, 128], sizes = [1, 128], strides = [1, 1]} : vector<1x512xf32> to vector<1x128xf32>
      %logistic3A_376 = arith.negf %slice3A_375 : vector<1x128xf32>
      %logistic3A_377 = math.exp %logistic3A_376 : vector<1x128xf32>
      %logistic3A_378 = arith.constant 1.000000e+00 : f32
      %logistic3A_379 = vector.broadcast %logistic3A_378 : f32 to vector<1x128xf32>
      %logistic3A_380 = arith.addf %logistic3A_379, %logistic3A_377 : vector<1x128xf32>
      %logistic3A_381 = arith.divf %logistic3A_379, %logistic3A_380 : vector<1x128xf32>
      %slice3A_382 = vector.extract_strided_slice %add3A_367 {offsets = [0, 256], sizes = [1, 128], strides = [1, 1]} : vector<1x512xf32> to vector<1x128xf32>
      %tanh3A_383 = math.tanh %slice3A_382 : vector<1x128xf32>
      %slice3A_384 = vector.extract_strided_slice %add3A_367 {offsets = [0, 384], sizes = [1, 128], strides = [1, 1]} : vector<1x512xf32> to vector<1x128xf32>
      %logistic3A_385 = arith.negf %slice3A_384 : vector<1x128xf32>
      %logistic3A_386 = math.exp %logistic3A_385 : vector<1x128xf32>
      %logistic3A_387 = arith.constant 1.000000e+00 : f32
      %logistic3A_388 = vector.broadcast %logistic3A_387 : f32 to vector<1x128xf32>
      %logistic3A_389 = arith.addf %logistic3A_388, %logistic3A_386 : vector<1x128xf32>
      %logistic3A_390 = arith.divf %logistic3A_388, %logistic3A_389 : vector<1x128xf32>
      %mul3A_391 = arith.mulf %logistic3A_381, %add3A_357 : vector<1x128xf32>
      %mul3A_392 = arith.mulf %logistic3A_374, %tanh3A_383 : vector<1x128xf32>
      %add3A_393 = arith.addf %mul3A_391, %mul3A_392 : vector<1x128xf32>
      %tanh3A_394 = math.tanh %add3A_393 : vector<1x128xf32>
      %mul3A_395 = arith.mulf %logistic3A_390, %tanh3A_394 : vector<1x128xf32>
      %scan3A_396 = arith.constant 10 : i32
      %scan3A_397 = arith.addi %scan3A_39, %scan3A_396 : i32
      %get3A_398 = arith.index_cast %scan3A_397 : i32 to index
      %get3A_399 = arith.constant 0 : index
      %get3A_400 = vector.load %arg8[%get3A_398, %get3A_399] : memref<200x512xf32, #tpu.memory_space<vmem>>, vector<1x512xf32>
      %dot_general3A_401 = arith.constant dense<0.000000e+00> : vector<1x512xf32>
      %dot_general3A_402 = tpu.matmul %mul3A_395, %get3A_18, %dot_general3A_401 {dimension_numbers = #tpu.dot_dimension_numbers<[1], [1], [0], [0], [0, 0, 1, 0], [], []>, transpose_lhs_hint = false} : vector<1x128xf32>, vector<512x128xf32>, vector<1x512xf32> -> vector<1x512xf32>
      %add3A_403 = arith.addf %get3A_400, %dot_general3A_402 : vector<1x512xf32>
      %slice3A_404 = vector.extract_strided_slice %add3A_403 {offsets = [0, 0], sizes = [1, 128], strides = [1, 1]} : vector<1x512xf32> to vector<1x128xf32>
      %logistic3A_405 = arith.negf %slice3A_404 : vector<1x128xf32>
      %logistic3A_406 = math.exp %logistic3A_405 : vector<1x128xf32>
      %logistic3A_407 = arith.constant 1.000000e+00 : f32
      %logistic3A_408 = vector.broadcast %logistic3A_407 : f32 to vector<1x128xf32>
      %logistic3A_409 = arith.addf %logistic3A_408, %logistic3A_406 : vector<1x128xf32>
      %logistic3A_410 = arith.divf %logistic3A_408, %logistic3A_409 : vector<1x128xf32>
      %slice3A_411 = vector.extract_strided_slice %add3A_403 {offsets = [0, 128], sizes = [1, 128], strides = [1, 1]} : vector<1x512xf32> to vector<1x128xf32>
      %logistic3A_412 = arith.negf %slice3A_411 : vector<1x128xf32>
      %logistic3A_413 = math.exp %logistic3A_412 : vector<1x128xf32>
      %logistic3A_414 = arith.constant 1.000000e+00 : f32
      %logistic3A_415 = vector.broadcast %logistic3A_414 : f32 to vector<1x128xf32>
      %logistic3A_416 = arith.addf %logistic3A_415, %logistic3A_413 : vector<1x128xf32>
      %logistic3A_417 = arith.divf %logistic3A_415, %logistic3A_416 : vector<1x128xf32>
      %slice3A_418 = vector.extract_strided_slice %add3A_403 {offsets = [0, 256], sizes = [1, 128], strides = [1, 1]} : vector<1x512xf32> to vector<1x128xf32>
      %tanh3A_419 = math.tanh %slice3A_418 : vector<1x128xf32>
      %slice3A_420 = vector.extract_strided_slice %add3A_403 {offsets = [0, 384], sizes = [1, 128], strides = [1, 1]} : vector<1x512xf32> to vector<1x128xf32>
      %logistic3A_421 = arith.negf %slice3A_420 : vector<1x128xf32>
      %logistic3A_422 = math.exp %logistic3A_421 : vector<1x128xf32>
      %logistic3A_423 = arith.constant 1.000000e+00 : f32
      %logistic3A_424 = vector.broadcast %logistic3A_423 : f32 to vector<1x128xf32>
      %logistic3A_425 = arith.addf %logistic3A_424, %logistic3A_422 : vector<1x128xf32>
      %logistic3A_426 = arith.divf %logistic3A_424, %logistic3A_425 : vector<1x128xf32>
      %mul3A_427 = arith.mulf %logistic3A_417, %add3A_393 : vector<1x128xf32>
      %mul3A_428 = arith.mulf %logistic3A_410, %tanh3A_419 : vector<1x128xf32>
      %add3A_429 = arith.addf %mul3A_427, %mul3A_428 : vector<1x128xf32>
      %tanh3A_430 = math.tanh %add3A_429 : vector<1x128xf32>
      %mul3A_431 = arith.mulf %logistic3A_426, %tanh3A_430 : vector<1x128xf32>
      %scan3A_432 = arith.constant 11 : i32
      %scan3A_433 = arith.addi %scan3A_39, %scan3A_432 : i32
      %get3A_434 = arith.index_cast %scan3A_433 : i32 to index
      %get3A_435 = arith.constant 0 : index
      %get3A_436 = vector.load %arg8[%get3A_434, %get3A_435] : memref<200x512xf32, #tpu.memory_space<vmem>>, vector<1x512xf32>
      %dot_general3A_437 = arith.constant dense<0.000000e+00> : vector<1x512xf32>
      %dot_general3A_438 = tpu.matmul %mul3A_431, %get3A_18, %dot_general3A_437 {dimension_numbers = #tpu.dot_dimension_numbers<[1], [1], [0], [0], [0, 0, 1, 0], [], []>, transpose_lhs_hint = false} : vector<1x128xf32>, vector<512x128xf32>, vector<1x512xf32> -> vector<1x512xf32>
      %add3A_439 = arith.addf %get3A_436, %dot_general3A_438 : vector<1x512xf32>
      %slice3A_440 = vector.extract_strided_slice %add3A_439 {offsets = [0, 0], sizes = [1, 128], strides = [1, 1]} : vector<1x512xf32> to vector<1x128xf32>
      %logistic3A_441 = arith.negf %slice3A_440 : vector<1x128xf32>
      %logistic3A_442 = math.exp %logistic3A_441 : vector<1x128xf32>
      %logistic3A_443 = arith.constant 1.000000e+00 : f32
      %logistic3A_444 = vector.broadcast %logistic3A_443 : f32 to vector<1x128xf32>
      %logistic3A_445 = arith.addf %logistic3A_444, %logistic3A_442 : vector<1x128xf32>
      %logistic3A_446 = arith.divf %logistic3A_444, %logistic3A_445 : vector<1x128xf32>
      %slice3A_447 = vector.extract_strided_slice %add3A_439 {offsets = [0, 128], sizes = [1, 128], strides = [1, 1]} : vector<1x512xf32> to vector<1x128xf32>
      %logistic3A_448 = arith.negf %slice3A_447 : vector<1x128xf32>
      %logistic3A_449 = math.exp %logistic3A_448 : vector<1x128xf32>
      %logistic3A_450 = arith.constant 1.000000e+00 : f32
      %logistic3A_451 = vector.broadcast %logistic3A_450 : f32 to vector<1x128xf32>
      %logistic3A_452 = arith.addf %logistic3A_451, %logistic3A_449 : vector<1x128xf32>
      %logistic3A_453 = arith.divf %logistic3A_451, %logistic3A_452 : vector<1x128xf32>
      %slice3A_454 = vector.extract_strided_slice %add3A_439 {offsets = [0, 256], sizes = [1, 128], strides = [1, 1]} : vector<1x512xf32> to vector<1x128xf32>
      %tanh3A_455 = math.tanh %slice3A_454 : vector<1x128xf32>
      %slice3A_456 = vector.extract_strided_slice %add3A_439 {offsets = [0, 384], sizes = [1, 128], strides = [1, 1]} : vector<1x512xf32> to vector<1x128xf32>
      %logistic3A_457 = arith.negf %slice3A_456 : vector<1x128xf32>
      %logistic3A_458 = math.exp %logistic3A_457 : vector<1x128xf32>
      %logistic3A_459 = arith.constant 1.000000e+00 : f32
      %logistic3A_460 = vector.broadcast %logistic3A_459 : f32 to vector<1x128xf32>
      %logistic3A_461 = arith.addf %logistic3A_460, %logistic3A_458 : vector<1x128xf32>
      %logistic3A_462 = arith.divf %logistic3A_460, %logistic3A_461 : vector<1x128xf32>
      %mul3A_463 = arith.mulf %logistic3A_453, %add3A_429 : vector<1x128xf32>
      %mul3A_464 = arith.mulf %logistic3A_446, %tanh3A_455 : vector<1x128xf32>
      %add3A_465 = arith.addf %mul3A_463, %mul3A_464 : vector<1x128xf32>
      %tanh3A_466 = math.tanh %add3A_465 : vector<1x128xf32>
      %mul3A_467 = arith.mulf %logistic3A_462, %tanh3A_466 : vector<1x128xf32>
      %scan3A_468 = arith.constant 12 : i32
      %scan3A_469 = arith.addi %scan3A_39, %scan3A_468 : i32
      %get3A_470 = arith.index_cast %scan3A_469 : i32 to index
      %get3A_471 = arith.constant 0 : index
      %get3A_472 = vector.load %arg8[%get3A_470, %get3A_471] : memref<200x512xf32, #tpu.memory_space<vmem>>, vector<1x512xf32>
      %dot_general3A_473 = arith.constant dense<0.000000e+00> : vector<1x512xf32>
      %dot_general3A_474 = tpu.matmul %mul3A_467, %get3A_18, %dot_general3A_473 {dimension_numbers = #tpu.dot_dimension_numbers<[1], [1], [0], [0], [0, 0, 1, 0], [], []>, transpose_lhs_hint = false} : vector<1x128xf32>, vector<512x128xf32>, vector<1x512xf32> -> vector<1x512xf32>
      %add3A_475 = arith.addf %get3A_472, %dot_general3A_474 : vector<1x512xf32>
      %slice3A_476 = vector.extract_strided_slice %add3A_475 {offsets = [0, 0], sizes = [1, 128], strides = [1, 1]} : vector<1x512xf32> to vector<1x128xf32>
      %logistic3A_477 = arith.negf %slice3A_476 : vector<1x128xf32>
      %logistic3A_478 = math.exp %logistic3A_477 : vector<1x128xf32>
      %logistic3A_479 = arith.constant 1.000000e+00 : f32
      %logistic3A_480 = vector.broadcast %logistic3A_479 : f32 to vector<1x128xf32>
      %logistic3A_481 = arith.addf %logistic3A_480, %logistic3A_478 : vector<1x128xf32>
      %logistic3A_482 = arith.divf %logistic3A_480, %logistic3A_481 : vector<1x128xf32>
      %slice3A_483 = vector.extract_strided_slice %add3A_475 {offsets = [0, 128], sizes = [1, 128], strides = [1, 1]} : vector<1x512xf32> to vector<1x128xf32>
      %logistic3A_484 = arith.negf %slice3A_483 : vector<1x128xf32>
      %logistic3A_485 = math.exp %logistic3A_484 : vector<1x128xf32>
      %logistic3A_486 = arith.constant 1.000000e+00 : f32
      %logistic3A_487 = vector.broadcast %logistic3A_486 : f32 to vector<1x128xf32>
      %logistic3A_488 = arith.addf %logistic3A_487, %logistic3A_485 : vector<1x128xf32>
      %logistic3A_489 = arith.divf %logistic3A_487, %logistic3A_488 : vector<1x128xf32>
      %slice3A_490 = vector.extract_strided_slice %add3A_475 {offsets = [0, 256], sizes = [1, 128], strides = [1, 1]} : vector<1x512xf32> to vector<1x128xf32>
      %tanh3A_491 = math.tanh %slice3A_490 : vector<1x128xf32>
      %slice3A_492 = vector.extract_strided_slice %add3A_475 {offsets = [0, 384], sizes = [1, 128], strides = [1, 1]} : vector<1x512xf32> to vector<1x128xf32>
      %logistic3A_493 = arith.negf %slice3A_492 : vector<1x128xf32>
      %logistic3A_494 = math.exp %logistic3A_493 : vector<1x128xf32>
      %logistic3A_495 = arith.constant 1.000000e+00 : f32
      %logistic3A_496 = vector.broadcast %logistic3A_495 : f32 to vector<1x128xf32>
      %logistic3A_497 = arith.addf %logistic3A_496, %logistic3A_494 : vector<1x128xf32>
      %logistic3A_498 = arith.divf %logistic3A_496, %logistic3A_497 : vector<1x128xf32>
      %mul3A_499 = arith.mulf %logistic3A_489, %add3A_465 : vector<1x128xf32>
      %mul3A_500 = arith.mulf %logistic3A_482, %tanh3A_491 : vector<1x128xf32>
      %add3A_501 = arith.addf %mul3A_499, %mul3A_500 : vector<1x128xf32>
      %tanh3A_502 = math.tanh %add3A_501 : vector<1x128xf32>
      %mul3A_503 = arith.mulf %logistic3A_498, %tanh3A_502 : vector<1x128xf32>
      %scan3A_504 = arith.constant 13 : i32
      %scan3A_505 = arith.addi %scan3A_39, %scan3A_504 : i32
      %get3A_506 = arith.index_cast %scan3A_505 : i32 to index
      %get3A_507 = arith.constant 0 : index
      %get3A_508 = vector.load %arg8[%get3A_506, %get3A_507] : memref<200x512xf32, #tpu.memory_space<vmem>>, vector<1x512xf32>
      %dot_general3A_509 = arith.constant dense<0.000000e+00> : vector<1x512xf32>
      %dot_general3A_510 = tpu.matmul %mul3A_503, %get3A_18, %dot_general3A_509 {dimension_numbers = #tpu.dot_dimension_numbers<[1], [1], [0], [0], [0, 0, 1, 0], [], []>, transpose_lhs_hint = false} : vector<1x128xf32>, vector<512x128xf32>, vector<1x512xf32> -> vector<1x512xf32>
      %add3A_511 = arith.addf %get3A_508, %dot_general3A_510 : vector<1x512xf32>
      %slice3A_512 = vector.extract_strided_slice %add3A_511 {offsets = [0, 0], sizes = [1, 128], strides = [1, 1]} : vector<1x512xf32> to vector<1x128xf32>
      %logistic3A_513 = arith.negf %slice3A_512 : vector<1x128xf32>
      %logistic3A_514 = math.exp %logistic3A_513 : vector<1x128xf32>
      %logistic3A_515 = arith.constant 1.000000e+00 : f32
      %logistic3A_516 = vector.broadcast %logistic3A_515 : f32 to vector<1x128xf32>
      %logistic3A_517 = arith.addf %logistic3A_516, %logistic3A_514 : vector<1x128xf32>
      %logistic3A_518 = arith.divf %logistic3A_516, %logistic3A_517 : vector<1x128xf32>
      %slice3A_519 = vector.extract_strided_slice %add3A_511 {offsets = [0, 128], sizes = [1, 128], strides = [1, 1]} : vector<1x512xf32> to vector<1x128xf32>
      %logistic3A_520 = arith.negf %slice3A_519 : vector<1x128xf32>
      %logistic3A_521 = math.exp %logistic3A_520 : vector<1x128xf32>
      %logistic3A_522 = arith.constant 1.000000e+00 : f32
      %logistic3A_523 = vector.broadcast %logistic3A_522 : f32 to vector<1x128xf32>
      %logistic3A_524 = arith.addf %logistic3A_523, %logistic3A_521 : vector<1x128xf32>
      %logistic3A_525 = arith.divf %logistic3A_523, %logistic3A_524 : vector<1x128xf32>
      %slice3A_526 = vector.extract_strided_slice %add3A_511 {offsets = [0, 256], sizes = [1, 128], strides = [1, 1]} : vector<1x512xf32> to vector<1x128xf32>
      %tanh3A_527 = math.tanh %slice3A_526 : vector<1x128xf32>
      %slice3A_528 = vector.extract_strided_slice %add3A_511 {offsets = [0, 384], sizes = [1, 128], strides = [1, 1]} : vector<1x512xf32> to vector<1x128xf32>
      %logistic3A_529 = arith.negf %slice3A_528 : vector<1x128xf32>
      %logistic3A_530 = math.exp %logistic3A_529 : vector<1x128xf32>
      %logistic3A_531 = arith.constant 1.000000e+00 : f32
      %logistic3A_532 = vector.broadcast %logistic3A_531 : f32 to vector<1x128xf32>
      %logistic3A_533 = arith.addf %logistic3A_532, %logistic3A_530 : vector<1x128xf32>
      %logistic3A_534 = arith.divf %logistic3A_532, %logistic3A_533 : vector<1x128xf32>
      %mul3A_535 = arith.mulf %logistic3A_525, %add3A_501 : vector<1x128xf32>
      %mul3A_536 = arith.mulf %logistic3A_518, %tanh3A_527 : vector<1x128xf32>
      %add3A_537 = arith.addf %mul3A_535, %mul3A_536 : vector<1x128xf32>
      %tanh3A_538 = math.tanh %add3A_537 : vector<1x128xf32>
      %mul3A_539 = arith.mulf %logistic3A_534, %tanh3A_538 : vector<1x128xf32>
      %scan3A_540 = arith.constant 14 : i32
      %scan3A_541 = arith.addi %scan3A_39, %scan3A_540 : i32
      %get3A_542 = arith.index_cast %scan3A_541 : i32 to index
      %get3A_543 = arith.constant 0 : index
      %get3A_544 = vector.load %arg8[%get3A_542, %get3A_543] : memref<200x512xf32, #tpu.memory_space<vmem>>, vector<1x512xf32>
      %dot_general3A_545 = arith.constant dense<0.000000e+00> : vector<1x512xf32>
      %dot_general3A_546 = tpu.matmul %mul3A_539, %get3A_18, %dot_general3A_545 {dimension_numbers = #tpu.dot_dimension_numbers<[1], [1], [0], [0], [0, 0, 1, 0], [], []>, transpose_lhs_hint = false} : vector<1x128xf32>, vector<512x128xf32>, vector<1x512xf32> -> vector<1x512xf32>
      %add3A_547 = arith.addf %get3A_544, %dot_general3A_546 : vector<1x512xf32>
      %slice3A_548 = vector.extract_strided_slice %add3A_547 {offsets = [0, 0], sizes = [1, 128], strides = [1, 1]} : vector<1x512xf32> to vector<1x128xf32>
      %logistic3A_549 = arith.negf %slice3A_548 : vector<1x128xf32>
      %logistic3A_550 = math.exp %logistic3A_549 : vector<1x128xf32>
      %logistic3A_551 = arith.constant 1.000000e+00 : f32
      %logistic3A_552 = vector.broadcast %logistic3A_551 : f32 to vector<1x128xf32>
      %logistic3A_553 = arith.addf %logistic3A_552, %logistic3A_550 : vector<1x128xf32>
      %logistic3A_554 = arith.divf %logistic3A_552, %logistic3A_553 : vector<1x128xf32>
      %slice3A_555 = vector.extract_strided_slice %add3A_547 {offsets = [0, 128], sizes = [1, 128], strides = [1, 1]} : vector<1x512xf32> to vector<1x128xf32>
      %logistic3A_556 = arith.negf %slice3A_555 : vector<1x128xf32>
      %logistic3A_557 = math.exp %logistic3A_556 : vector<1x128xf32>
      %logistic3A_558 = arith.constant 1.000000e+00 : f32
      %logistic3A_559 = vector.broadcast %logistic3A_558 : f32 to vector<1x128xf32>
      %logistic3A_560 = arith.addf %logistic3A_559, %logistic3A_557 : vector<1x128xf32>
      %logistic3A_561 = arith.divf %logistic3A_559, %logistic3A_560 : vector<1x128xf32>
      %slice3A_562 = vector.extract_strided_slice %add3A_547 {offsets = [0, 256], sizes = [1, 128], strides = [1, 1]} : vector<1x512xf32> to vector<1x128xf32>
      %tanh3A_563 = math.tanh %slice3A_562 : vector<1x128xf32>
      %slice3A_564 = vector.extract_strided_slice %add3A_547 {offsets = [0, 384], sizes = [1, 128], strides = [1, 1]} : vector<1x512xf32> to vector<1x128xf32>
      %logistic3A_565 = arith.negf %slice3A_564 : vector<1x128xf32>
      %logistic3A_566 = math.exp %logistic3A_565 : vector<1x128xf32>
      %logistic3A_567 = arith.constant 1.000000e+00 : f32
      %logistic3A_568 = vector.broadcast %logistic3A_567 : f32 to vector<1x128xf32>
      %logistic3A_569 = arith.addf %logistic3A_568, %logistic3A_566 : vector<1x128xf32>
      %logistic3A_570 = arith.divf %logistic3A_568, %logistic3A_569 : vector<1x128xf32>
      %mul3A_571 = arith.mulf %logistic3A_561, %add3A_537 : vector<1x128xf32>
      %mul3A_572 = arith.mulf %logistic3A_554, %tanh3A_563 : vector<1x128xf32>
      %add3A_573 = arith.addf %mul3A_571, %mul3A_572 : vector<1x128xf32>
      %tanh3A_574 = math.tanh %add3A_573 : vector<1x128xf32>
      %mul3A_575 = arith.mulf %logistic3A_570, %tanh3A_574 : vector<1x128xf32>
      %scan3A_576 = arith.constant 15 : i32
      %scan3A_577 = arith.addi %scan3A_39, %scan3A_576 : i32
      %get3A_578 = arith.index_cast %scan3A_577 : i32 to index
      %get3A_579 = arith.constant 0 : index
      %get3A_580 = vector.load %arg8[%get3A_578, %get3A_579] : memref<200x512xf32, #tpu.memory_space<vmem>>, vector<1x512xf32>
      %dot_general3A_581 = arith.constant dense<0.000000e+00> : vector<1x512xf32>
      %dot_general3A_582 = tpu.matmul %mul3A_575, %get3A_18, %dot_general3A_581 {dimension_numbers = #tpu.dot_dimension_numbers<[1], [1], [0], [0], [0, 0, 1, 0], [], []>, transpose_lhs_hint = false} : vector<1x128xf32>, vector<512x128xf32>, vector<1x512xf32> -> vector<1x512xf32>
      %add3A_583 = arith.addf %get3A_580, %dot_general3A_582 : vector<1x512xf32>
      %slice3A_584 = vector.extract_strided_slice %add3A_583 {offsets = [0, 0], sizes = [1, 128], strides = [1, 1]} : vector<1x512xf32> to vector<1x128xf32>
      %logistic3A_585 = arith.negf %slice3A_584 : vector<1x128xf32>
      %logistic3A_586 = math.exp %logistic3A_585 : vector<1x128xf32>
      %logistic3A_587 = arith.constant 1.000000e+00 : f32
      %logistic3A_588 = vector.broadcast %logistic3A_587 : f32 to vector<1x128xf32>
      %logistic3A_589 = arith.addf %logistic3A_588, %logistic3A_586 : vector<1x128xf32>
      %logistic3A_590 = arith.divf %logistic3A_588, %logistic3A_589 : vector<1x128xf32>
      %slice3A_591 = vector.extract_strided_slice %add3A_583 {offsets = [0, 128], sizes = [1, 128], strides = [1, 1]} : vector<1x512xf32> to vector<1x128xf32>
      %logistic3A_592 = arith.negf %slice3A_591 : vector<1x128xf32>
      %logistic3A_593 = math.exp %logistic3A_592 : vector<1x128xf32>
      %logistic3A_594 = arith.constant 1.000000e+00 : f32
      %logistic3A_595 = vector.broadcast %logistic3A_594 : f32 to vector<1x128xf32>
      %logistic3A_596 = arith.addf %logistic3A_595, %logistic3A_593 : vector<1x128xf32>
      %logistic3A_597 = arith.divf %logistic3A_595, %logistic3A_596 : vector<1x128xf32>
      %slice3A_598 = vector.extract_strided_slice %add3A_583 {offsets = [0, 256], sizes = [1, 128], strides = [1, 1]} : vector<1x512xf32> to vector<1x128xf32>
      %tanh3A_599 = math.tanh %slice3A_598 : vector<1x128xf32>
      %slice3A_600 = vector.extract_strided_slice %add3A_583 {offsets = [0, 384], sizes = [1, 128], strides = [1, 1]} : vector<1x512xf32> to vector<1x128xf32>
      %logistic3A_601 = arith.negf %slice3A_600 : vector<1x128xf32>
      %logistic3A_602 = math.exp %logistic3A_601 : vector<1x128xf32>
      %logistic3A_603 = arith.constant 1.000000e+00 : f32
      %logistic3A_604 = vector.broadcast %logistic3A_603 : f32 to vector<1x128xf32>
      %logistic3A_605 = arith.addf %logistic3A_604, %logistic3A_602 : vector<1x128xf32>
      %logistic3A_606 = arith.divf %logistic3A_604, %logistic3A_605 : vector<1x128xf32>
      %mul3A_607 = arith.mulf %logistic3A_597, %add3A_573 : vector<1x128xf32>
      %mul3A_608 = arith.mulf %logistic3A_590, %tanh3A_599 : vector<1x128xf32>
      %add3A_609 = arith.addf %mul3A_607, %mul3A_608 : vector<1x128xf32>
      %tanh3A_610 = math.tanh %add3A_609 : vector<1x128xf32>
      %mul3A_611 = arith.mulf %logistic3A_606, %tanh3A_610 : vector<1x128xf32>
      %scan3A_612 = arith.constant 16 : i32
      %scan3A_613 = arith.addi %scan3A_39, %scan3A_612 : i32
      %get3A_614 = arith.index_cast %scan3A_613 : i32 to index
      %get3A_615 = arith.constant 0 : index
      %get3A_616 = vector.load %arg8[%get3A_614, %get3A_615] : memref<200x512xf32, #tpu.memory_space<vmem>>, vector<1x512xf32>
      %dot_general3A_617 = arith.constant dense<0.000000e+00> : vector<1x512xf32>
      %dot_general3A_618 = tpu.matmul %mul3A_611, %get3A_18, %dot_general3A_617 {dimension_numbers = #tpu.dot_dimension_numbers<[1], [1], [0], [0], [0, 0, 1, 0], [], []>, transpose_lhs_hint = false} : vector<1x128xf32>, vector<512x128xf32>, vector<1x512xf32> -> vector<1x512xf32>
      %add3A_619 = arith.addf %get3A_616, %dot_general3A_618 : vector<1x512xf32>
      %slice3A_620 = vector.extract_strided_slice %add3A_619 {offsets = [0, 0], sizes = [1, 128], strides = [1, 1]} : vector<1x512xf32> to vector<1x128xf32>
      %logistic3A_621 = arith.negf %slice3A_620 : vector<1x128xf32>
      %logistic3A_622 = math.exp %logistic3A_621 : vector<1x128xf32>
      %logistic3A_623 = arith.constant 1.000000e+00 : f32
      %logistic3A_624 = vector.broadcast %logistic3A_623 : f32 to vector<1x128xf32>
      %logistic3A_625 = arith.addf %logistic3A_624, %logistic3A_622 : vector<1x128xf32>
      %logistic3A_626 = arith.divf %logistic3A_624, %logistic3A_625 : vector<1x128xf32>
      %slice3A_627 = vector.extract_strided_slice %add3A_619 {offsets = [0, 128], sizes = [1, 128], strides = [1, 1]} : vector<1x512xf32> to vector<1x128xf32>
      %logistic3A_628 = arith.negf %slice3A_627 : vector<1x128xf32>
      %logistic3A_629 = math.exp %logistic3A_628 : vector<1x128xf32>
      %logistic3A_630 = arith.constant 1.000000e+00 : f32
      %logistic3A_631 = vector.broadcast %logistic3A_630 : f32 to vector<1x128xf32>
      %logistic3A_632 = arith.addf %logistic3A_631, %logistic3A_629 : vector<1x128xf32>
      %logistic3A_633 = arith.divf %logistic3A_631, %logistic3A_632 : vector<1x128xf32>
      %slice3A_634 = vector.extract_strided_slice %add3A_619 {offsets = [0, 256], sizes = [1, 128], strides = [1, 1]} : vector<1x512xf32> to vector<1x128xf32>
      %tanh3A_635 = math.tanh %slice3A_634 : vector<1x128xf32>
      %slice3A_636 = vector.extract_strided_slice %add3A_619 {offsets = [0, 384], sizes = [1, 128], strides = [1, 1]} : vector<1x512xf32> to vector<1x128xf32>
      %logistic3A_637 = arith.negf %slice3A_636 : vector<1x128xf32>
      %logistic3A_638 = math.exp %logistic3A_637 : vector<1x128xf32>
      %logistic3A_639 = arith.constant 1.000000e+00 : f32
      %logistic3A_640 = vector.broadcast %logistic3A_639 : f32 to vector<1x128xf32>
      %logistic3A_641 = arith.addf %logistic3A_640, %logistic3A_638 : vector<1x128xf32>
      %logistic3A_642 = arith.divf %logistic3A_640, %logistic3A_641 : vector<1x128xf32>
      %mul3A_643 = arith.mulf %logistic3A_633, %add3A_609 : vector<1x128xf32>
      %mul3A_644 = arith.mulf %logistic3A_626, %tanh3A_635 : vector<1x128xf32>
      %add3A_645 = arith.addf %mul3A_643, %mul3A_644 : vector<1x128xf32>
      %tanh3A_646 = math.tanh %add3A_645 : vector<1x128xf32>
      %mul3A_647 = arith.mulf %logistic3A_642, %tanh3A_646 : vector<1x128xf32>
      %scan3A_648 = arith.constant 17 : i32
      %scan3A_649 = arith.addi %scan3A_39, %scan3A_648 : i32
      %get3A_650 = arith.index_cast %scan3A_649 : i32 to index
      %get3A_651 = arith.constant 0 : index
      %get3A_652 = vector.load %arg8[%get3A_650, %get3A_651] : memref<200x512xf32, #tpu.memory_space<vmem>>, vector<1x512xf32>
      %dot_general3A_653 = arith.constant dense<0.000000e+00> : vector<1x512xf32>
      %dot_general3A_654 = tpu.matmul %mul3A_647, %get3A_18, %dot_general3A_653 {dimension_numbers = #tpu.dot_dimension_numbers<[1], [1], [0], [0], [0, 0, 1, 0], [], []>, transpose_lhs_hint = false} : vector<1x128xf32>, vector<512x128xf32>, vector<1x512xf32> -> vector<1x512xf32>
      %add3A_655 = arith.addf %get3A_652, %dot_general3A_654 : vector<1x512xf32>
      %slice3A_656 = vector.extract_strided_slice %add3A_655 {offsets = [0, 0], sizes = [1, 128], strides = [1, 1]} : vector<1x512xf32> to vector<1x128xf32>
      %logistic3A_657 = arith.negf %slice3A_656 : vector<1x128xf32>
      %logistic3A_658 = math.exp %logistic3A_657 : vector<1x128xf32>
      %logistic3A_659 = arith.constant 1.000000e+00 : f32
      %logistic3A_660 = vector.broadcast %logistic3A_659 : f32 to vector<1x128xf32>
      %logistic3A_661 = arith.addf %logistic3A_660, %logistic3A_658 : vector<1x128xf32>
      %logistic3A_662 = arith.divf %logistic3A_660, %logistic3A_661 : vector<1x128xf32>
      %slice3A_663 = vector.extract_strided_slice %add3A_655 {offsets = [0, 128], sizes = [1, 128], strides = [1, 1]} : vector<1x512xf32> to vector<1x128xf32>
      %logistic3A_664 = arith.negf %slice3A_663 : vector<1x128xf32>
      %logistic3A_665 = math.exp %logistic3A_664 : vector<1x128xf32>
      %logistic3A_666 = arith.constant 1.000000e+00 : f32
      %logistic3A_667 = vector.broadcast %logistic3A_666 : f32 to vector<1x128xf32>
      %logistic3A_668 = arith.addf %logistic3A_667, %logistic3A_665 : vector<1x128xf32>
      %logistic3A_669 = arith.divf %logistic3A_667, %logistic3A_668 : vector<1x128xf32>
      %slice3A_670 = vector.extract_strided_slice %add3A_655 {offsets = [0, 256], sizes = [1, 128], strides = [1, 1]} : vector<1x512xf32> to vector<1x128xf32>
      %tanh3A_671 = math.tanh %slice3A_670 : vector<1x128xf32>
      %slice3A_672 = vector.extract_strided_slice %add3A_655 {offsets = [0, 384], sizes = [1, 128], strides = [1, 1]} : vector<1x512xf32> to vector<1x128xf32>
      %logistic3A_673 = arith.negf %slice3A_672 : vector<1x128xf32>
      %logistic3A_674 = math.exp %logistic3A_673 : vector<1x128xf32>
      %logistic3A_675 = arith.constant 1.000000e+00 : f32
      %logistic3A_676 = vector.broadcast %logistic3A_675 : f32 to vector<1x128xf32>
      %logistic3A_677 = arith.addf %logistic3A_676, %logistic3A_674 : vector<1x128xf32>
      %logistic3A_678 = arith.divf %logistic3A_676, %logistic3A_677 : vector<1x128xf32>
      %mul3A_679 = arith.mulf %logistic3A_669, %add3A_645 : vector<1x128xf32>
      %mul3A_680 = arith.mulf %logistic3A_662, %tanh3A_671 : vector<1x128xf32>
      %add3A_681 = arith.addf %mul3A_679, %mul3A_680 : vector<1x128xf32>
      %tanh3A_682 = math.tanh %add3A_681 : vector<1x128xf32>
      %mul3A_683 = arith.mulf %logistic3A_678, %tanh3A_682 : vector<1x128xf32>
      %scan3A_684 = arith.constant 18 : i32
      %scan3A_685 = arith.addi %scan3A_39, %scan3A_684 : i32
      %get3A_686 = arith.index_cast %scan3A_685 : i32 to index
      %get3A_687 = arith.constant 0 : index
      %get3A_688 = vector.load %arg8[%get3A_686, %get3A_687] : memref<200x512xf32, #tpu.memory_space<vmem>>, vector<1x512xf32>
      %dot_general3A_689 = arith.constant dense<0.000000e+00> : vector<1x512xf32>
      %dot_general3A_690 = tpu.matmul %mul3A_683, %get3A_18, %dot_general3A_689 {dimension_numbers = #tpu.dot_dimension_numbers<[1], [1], [0], [0], [0, 0, 1, 0], [], []>, transpose_lhs_hint = false} : vector<1x128xf32>, vector<512x128xf32>, vector<1x512xf32> -> vector<1x512xf32>
      %add3A_691 = arith.addf %get3A_688, %dot_general3A_690 : vector<1x512xf32>
      %slice3A_692 = vector.extract_strided_slice %add3A_691 {offsets = [0, 0], sizes = [1, 128], strides = [1, 1]} : vector<1x512xf32> to vector<1x128xf32>
      %logistic3A_693 = arith.negf %slice3A_692 : vector<1x128xf32>
      %logistic3A_694 = math.exp %logistic3A_693 : vector<1x128xf32>
      %logistic3A_695 = arith.constant 1.000000e+00 : f32
      %logistic3A_696 = vector.broadcast %logistic3A_695 : f32 to vector<1x128xf32>
      %logistic3A_697 = arith.addf %logistic3A_696, %logistic3A_694 : vector<1x128xf32>
      %logistic3A_698 = arith.divf %logistic3A_696, %logistic3A_697 : vector<1x128xf32>
      %slice3A_699 = vector.extract_strided_slice %add3A_691 {offsets = [0, 128], sizes = [1, 128], strides = [1, 1]} : vector<1x512xf32> to vector<1x128xf32>
      %logistic3A_700 = arith.negf %slice3A_699 : vector<1x128xf32>
      %logistic3A_701 = math.exp %logistic3A_700 : vector<1x128xf32>
      %logistic3A_702 = arith.constant 1.000000e+00 : f32
      %logistic3A_703 = vector.broadcast %logistic3A_702 : f32 to vector<1x128xf32>
      %logistic3A_704 = arith.addf %logistic3A_703, %logistic3A_701 : vector<1x128xf32>
      %logistic3A_705 = arith.divf %logistic3A_703, %logistic3A_704 : vector<1x128xf32>
      %slice3A_706 = vector.extract_strided_slice %add3A_691 {offsets = [0, 256], sizes = [1, 128], strides = [1, 1]} : vector<1x512xf32> to vector<1x128xf32>
      %tanh3A_707 = math.tanh %slice3A_706 : vector<1x128xf32>
      %slice3A_708 = vector.extract_strided_slice %add3A_691 {offsets = [0, 384], sizes = [1, 128], strides = [1, 1]} : vector<1x512xf32> to vector<1x128xf32>
      %logistic3A_709 = arith.negf %slice3A_708 : vector<1x128xf32>
      %logistic3A_710 = math.exp %logistic3A_709 : vector<1x128xf32>
      %logistic3A_711 = arith.constant 1.000000e+00 : f32
      %logistic3A_712 = vector.broadcast %logistic3A_711 : f32 to vector<1x128xf32>
      %logistic3A_713 = arith.addf %logistic3A_712, %logistic3A_710 : vector<1x128xf32>
      %logistic3A_714 = arith.divf %logistic3A_712, %logistic3A_713 : vector<1x128xf32>
      %mul3A_715 = arith.mulf %logistic3A_705, %add3A_681 : vector<1x128xf32>
      %mul3A_716 = arith.mulf %logistic3A_698, %tanh3A_707 : vector<1x128xf32>
      %add3A_717 = arith.addf %mul3A_715, %mul3A_716 : vector<1x128xf32>
      %tanh3A_718 = math.tanh %add3A_717 : vector<1x128xf32>
      %mul3A_719 = arith.mulf %logistic3A_714, %tanh3A_718 : vector<1x128xf32>
      %scan3A_720 = arith.constant 19 : i32
      %scan3A_721 = arith.addi %scan3A_39, %scan3A_720 : i32
      %get3A_722 = arith.index_cast %scan3A_721 : i32 to index
      %get3A_723 = arith.constant 0 : index
      %get3A_724 = vector.load %arg8[%get3A_722, %get3A_723] : memref<200x512xf32, #tpu.memory_space<vmem>>, vector<1x512xf32>
      %dot_general3A_725 = arith.constant dense<0.000000e+00> : vector<1x512xf32>
      %dot_general3A_726 = tpu.matmul %mul3A_719, %get3A_18, %dot_general3A_725 {dimension_numbers = #tpu.dot_dimension_numbers<[1], [1], [0], [0], [0, 0, 1, 0], [], []>, transpose_lhs_hint = false} : vector<1x128xf32>, vector<512x128xf32>, vector<1x512xf32> -> vector<1x512xf32>
      %add3A_727 = arith.addf %get3A_724, %dot_general3A_726 : vector<1x512xf32>
      %slice3A_728 = vector.extract_strided_slice %add3A_727 {offsets = [0, 0], sizes = [1, 128], strides = [1, 1]} : vector<1x512xf32> to vector<1x128xf32>
      %logistic3A_729 = arith.negf %slice3A_728 : vector<1x128xf32>
      %logistic3A_730 = math.exp %logistic3A_729 : vector<1x128xf32>
      %logistic3A_731 = arith.constant 1.000000e+00 : f32
      %logistic3A_732 = vector.broadcast %logistic3A_731 : f32 to vector<1x128xf32>
      %logistic3A_733 = arith.addf %logistic3A_732, %logistic3A_730 : vector<1x128xf32>
      %logistic3A_734 = arith.divf %logistic3A_732, %logistic3A_733 : vector<1x128xf32>
      %slice3A_735 = vector.extract_strided_slice %add3A_727 {offsets = [0, 128], sizes = [1, 128], strides = [1, 1]} : vector<1x512xf32> to vector<1x128xf32>
      %logistic3A_736 = arith.negf %slice3A_735 : vector<1x128xf32>
      %logistic3A_737 = math.exp %logistic3A_736 : vector<1x128xf32>
      %logistic3A_738 = arith.constant 1.000000e+00 : f32
      %logistic3A_739 = vector.broadcast %logistic3A_738 : f32 to vector<1x128xf32>
      %logistic3A_740 = arith.addf %logistic3A_739, %logistic3A_737 : vector<1x128xf32>
      %logistic3A_741 = arith.divf %logistic3A_739, %logistic3A_740 : vector<1x128xf32>
      %slice3A_742 = vector.extract_strided_slice %add3A_727 {offsets = [0, 256], sizes = [1, 128], strides = [1, 1]} : vector<1x512xf32> to vector<1x128xf32>
      %tanh3A_743 = math.tanh %slice3A_742 : vector<1x128xf32>
      %slice3A_744 = vector.extract_strided_slice %add3A_727 {offsets = [0, 384], sizes = [1, 128], strides = [1, 1]} : vector<1x512xf32> to vector<1x128xf32>
      %logistic3A_745 = arith.negf %slice3A_744 : vector<1x128xf32>
      %logistic3A_746 = math.exp %logistic3A_745 : vector<1x128xf32>
      %logistic3A_747 = arith.constant 1.000000e+00 : f32
      %logistic3A_748 = vector.broadcast %logistic3A_747 : f32 to vector<1x128xf32>
      %logistic3A_749 = arith.addf %logistic3A_748, %logistic3A_746 : vector<1x128xf32>
      %logistic3A_750 = arith.divf %logistic3A_748, %logistic3A_749 : vector<1x128xf32>
      %mul3A_751 = arith.mulf %logistic3A_741, %add3A_717 : vector<1x128xf32>
      %mul3A_752 = arith.mulf %logistic3A_734, %tanh3A_743 : vector<1x128xf32>
      %add3A_753 = arith.addf %mul3A_751, %mul3A_752 : vector<1x128xf32>
      %tanh3A_754 = math.tanh %add3A_753 : vector<1x128xf32>
      %mul3A_755 = arith.mulf %logistic3A_750, %tanh3A_754 : vector<1x128xf32>
      %scan3A_756 = arith.constant 20 : i32
      %scan3A_757 = arith.addi %scan3A_39, %scan3A_756 : i32
      %get3A_758 = arith.index_cast %scan3A_757 : i32 to index
      %get3A_759 = arith.constant 0 : index
      %get3A_760 = vector.load %arg8[%get3A_758, %get3A_759] : memref<200x512xf32, #tpu.memory_space<vmem>>, vector<1x512xf32>
      %dot_general3A_761 = arith.constant dense<0.000000e+00> : vector<1x512xf32>
      %dot_general3A_762 = tpu.matmul %mul3A_755, %get3A_18, %dot_general3A_761 {dimension_numbers = #tpu.dot_dimension_numbers<[1], [1], [0], [0], [0, 0, 1, 0], [], []>, transpose_lhs_hint = false} : vector<1x128xf32>, vector<512x128xf32>, vector<1x512xf32> -> vector<1x512xf32>
      %add3A_763 = arith.addf %get3A_760, %dot_general3A_762 : vector<1x512xf32>
      %slice3A_764 = vector.extract_strided_slice %add3A_763 {offsets = [0, 0], sizes = [1, 128], strides = [1, 1]} : vector<1x512xf32> to vector<1x128xf32>
      %logistic3A_765 = arith.negf %slice3A_764 : vector<1x128xf32>
      %logistic3A_766 = math.exp %logistic3A_765 : vector<1x128xf32>
      %logistic3A_767 = arith.constant 1.000000e+00 : f32
      %logistic3A_768 = vector.broadcast %logistic3A_767 : f32 to vector<1x128xf32>
      %logistic3A_769 = arith.addf %logistic3A_768, %logistic3A_766 : vector<1x128xf32>
      %logistic3A_770 = arith.divf %logistic3A_768, %logistic3A_769 : vector<1x128xf32>
      %slice3A_771 = vector.extract_strided_slice %add3A_763 {offsets = [0, 128], sizes = [1, 128], strides = [1, 1]} : vector<1x512xf32> to vector<1x128xf32>
      %logistic3A_772 = arith.negf %slice3A_771 : vector<1x128xf32>
      %logistic3A_773 = math.exp %logistic3A_772 : vector<1x128xf32>
      %logistic3A_774 = arith.constant 1.000000e+00 : f32
      %logistic3A_775 = vector.broadcast %logistic3A_774 : f32 to vector<1x128xf32>
      %logistic3A_776 = arith.addf %logistic3A_775, %logistic3A_773 : vector<1x128xf32>
      %logistic3A_777 = arith.divf %logistic3A_775, %logistic3A_776 : vector<1x128xf32>
      %slice3A_778 = vector.extract_strided_slice %add3A_763 {offsets = [0, 256], sizes = [1, 128], strides = [1, 1]} : vector<1x512xf32> to vector<1x128xf32>
      %tanh3A_779 = math.tanh %slice3A_778 : vector<1x128xf32>
      %slice3A_780 = vector.extract_strided_slice %add3A_763 {offsets = [0, 384], sizes = [1, 128], strides = [1, 1]} : vector<1x512xf32> to vector<1x128xf32>
      %logistic3A_781 = arith.negf %slice3A_780 : vector<1x128xf32>
      %logistic3A_782 = math.exp %logistic3A_781 : vector<1x128xf32>
      %logistic3A_783 = arith.constant 1.000000e+00 : f32
      %logistic3A_784 = vector.broadcast %logistic3A_783 : f32 to vector<1x128xf32>
      %logistic3A_785 = arith.addf %logistic3A_784, %logistic3A_782 : vector<1x128xf32>
      %logistic3A_786 = arith.divf %logistic3A_784, %logistic3A_785 : vector<1x128xf32>
      %mul3A_787 = arith.mulf %logistic3A_777, %add3A_753 : vector<1x128xf32>
      %mul3A_788 = arith.mulf %logistic3A_770, %tanh3A_779 : vector<1x128xf32>
      %add3A_789 = arith.addf %mul3A_787, %mul3A_788 : vector<1x128xf32>
      %tanh3A_790 = math.tanh %add3A_789 : vector<1x128xf32>
      %mul3A_791 = arith.mulf %logistic3A_786, %tanh3A_790 : vector<1x128xf32>
      %scan3A_792 = arith.constant 21 : i32
      %scan3A_793 = arith.addi %scan3A_39, %scan3A_792 : i32
      %get3A_794 = arith.index_cast %scan3A_793 : i32 to index
      %get3A_795 = arith.constant 0 : index
      %get3A_796 = vector.load %arg8[%get3A_794, %get3A_795] : memref<200x512xf32, #tpu.memory_space<vmem>>, vector<1x512xf32>
      %dot_general3A_797 = arith.constant dense<0.000000e+00> : vector<1x512xf32>
      %dot_general3A_798 = tpu.matmul %mul3A_791, %get3A_18, %dot_general3A_797 {dimension_numbers = #tpu.dot_dimension_numbers<[1], [1], [0], [0], [0, 0, 1, 0], [], []>, transpose_lhs_hint = false} : vector<1x128xf32>, vector<512x128xf32>, vector<1x512xf32> -> vector<1x512xf32>
      %add3A_799 = arith.addf %get3A_796, %dot_general3A_798 : vector<1x512xf32>
      %slice3A_800 = vector.extract_strided_slice %add3A_799 {offsets = [0, 0], sizes = [1, 128], strides = [1, 1]} : vector<1x512xf32> to vector<1x128xf32>
      %logistic3A_801 = arith.negf %slice3A_800 : vector<1x128xf32>
      %logistic3A_802 = math.exp %logistic3A_801 : vector<1x128xf32>
      %logistic3A_803 = arith.constant 1.000000e+00 : f32
      %logistic3A_804 = vector.broadcast %logistic3A_803 : f32 to vector<1x128xf32>
      %logistic3A_805 = arith.addf %logistic3A_804, %logistic3A_802 : vector<1x128xf32>
      %logistic3A_806 = arith.divf %logistic3A_804, %logistic3A_805 : vector<1x128xf32>
      %slice3A_807 = vector.extract_strided_slice %add3A_799 {offsets = [0, 128], sizes = [1, 128], strides = [1, 1]} : vector<1x512xf32> to vector<1x128xf32>
      %logistic3A_808 = arith.negf %slice3A_807 : vector<1x128xf32>
      %logistic3A_809 = math.exp %logistic3A_808 : vector<1x128xf32>
      %logistic3A_810 = arith.constant 1.000000e+00 : f32
      %logistic3A_811 = vector.broadcast %logistic3A_810 : f32 to vector<1x128xf32>
      %logistic3A_812 = arith.addf %logistic3A_811, %logistic3A_809 : vector<1x128xf32>
      %logistic3A_813 = arith.divf %logistic3A_811, %logistic3A_812 : vector<1x128xf32>
      %slice3A_814 = vector.extract_strided_slice %add3A_799 {offsets = [0, 256], sizes = [1, 128], strides = [1, 1]} : vector<1x512xf32> to vector<1x128xf32>
      %tanh3A_815 = math.tanh %slice3A_814 : vector<1x128xf32>
      %slice3A_816 = vector.extract_strided_slice %add3A_799 {offsets = [0, 384], sizes = [1, 128], strides = [1, 1]} : vector<1x512xf32> to vector<1x128xf32>
      %logistic3A_817 = arith.negf %slice3A_816 : vector<1x128xf32>
      %logistic3A_818 = math.exp %logistic3A_817 : vector<1x128xf32>
      %logistic3A_819 = arith.constant 1.000000e+00 : f32
      %logistic3A_820 = vector.broadcast %logistic3A_819 : f32 to vector<1x128xf32>
      %logistic3A_821 = arith.addf %logistic3A_820, %logistic3A_818 : vector<1x128xf32>
      %logistic3A_822 = arith.divf %logistic3A_820, %logistic3A_821 : vector<1x128xf32>
      %mul3A_823 = arith.mulf %logistic3A_813, %add3A_789 : vector<1x128xf32>
      %mul3A_824 = arith.mulf %logistic3A_806, %tanh3A_815 : vector<1x128xf32>
      %add3A_825 = arith.addf %mul3A_823, %mul3A_824 : vector<1x128xf32>
      %tanh3A_826 = math.tanh %add3A_825 : vector<1x128xf32>
      %mul3A_827 = arith.mulf %logistic3A_822, %tanh3A_826 : vector<1x128xf32>
      %scan3A_828 = arith.constant 22 : i32
      %scan3A_829 = arith.addi %scan3A_39, %scan3A_828 : i32
      %get3A_830 = arith.index_cast %scan3A_829 : i32 to index
      %get3A_831 = arith.constant 0 : index
      %get3A_832 = vector.load %arg8[%get3A_830, %get3A_831] : memref<200x512xf32, #tpu.memory_space<vmem>>, vector<1x512xf32>
      %dot_general3A_833 = arith.constant dense<0.000000e+00> : vector<1x512xf32>
      %dot_general3A_834 = tpu.matmul %mul3A_827, %get3A_18, %dot_general3A_833 {dimension_numbers = #tpu.dot_dimension_numbers<[1], [1], [0], [0], [0, 0, 1, 0], [], []>, transpose_lhs_hint = false} : vector<1x128xf32>, vector<512x128xf32>, vector<1x512xf32> -> vector<1x512xf32>
      %add3A_835 = arith.addf %get3A_832, %dot_general3A_834 : vector<1x512xf32>
      %slice3A_836 = vector.extract_strided_slice %add3A_835 {offsets = [0, 0], sizes = [1, 128], strides = [1, 1]} : vector<1x512xf32> to vector<1x128xf32>
      %logistic3A_837 = arith.negf %slice3A_836 : vector<1x128xf32>
      %logistic3A_838 = math.exp %logistic3A_837 : vector<1x128xf32>
      %logistic3A_839 = arith.constant 1.000000e+00 : f32
      %logistic3A_840 = vector.broadcast %logistic3A_839 : f32 to vector<1x128xf32>
      %logistic3A_841 = arith.addf %logistic3A_840, %logistic3A_838 : vector<1x128xf32>
      %logistic3A_842 = arith.divf %logistic3A_840, %logistic3A_841 : vector<1x128xf32>
      %slice3A_843 = vector.extract_strided_slice %add3A_835 {offsets = [0, 128], sizes = [1, 128], strides = [1, 1]} : vector<1x512xf32> to vector<1x128xf32>
      %logistic3A_844 = arith.negf %slice3A_843 : vector<1x128xf32>
      %logistic3A_845 = math.exp %logistic3A_844 : vector<1x128xf32>
      %logistic3A_846 = arith.constant 1.000000e+00 : f32
      %logistic3A_847 = vector.broadcast %logistic3A_846 : f32 to vector<1x128xf32>
      %logistic3A_848 = arith.addf %logistic3A_847, %logistic3A_845 : vector<1x128xf32>
      %logistic3A_849 = arith.divf %logistic3A_847, %logistic3A_848 : vector<1x128xf32>
      %slice3A_850 = vector.extract_strided_slice %add3A_835 {offsets = [0, 256], sizes = [1, 128], strides = [1, 1]} : vector<1x512xf32> to vector<1x128xf32>
      %tanh3A_851 = math.tanh %slice3A_850 : vector<1x128xf32>
      %slice3A_852 = vector.extract_strided_slice %add3A_835 {offsets = [0, 384], sizes = [1, 128], strides = [1, 1]} : vector<1x512xf32> to vector<1x128xf32>
      %logistic3A_853 = arith.negf %slice3A_852 : vector<1x128xf32>
      %logistic3A_854 = math.exp %logistic3A_853 : vector<1x128xf32>
      %logistic3A_855 = arith.constant 1.000000e+00 : f32
      %logistic3A_856 = vector.broadcast %logistic3A_855 : f32 to vector<1x128xf32>
      %logistic3A_857 = arith.addf %logistic3A_856, %logistic3A_854 : vector<1x128xf32>
      %logistic3A_858 = arith.divf %logistic3A_856, %logistic3A_857 : vector<1x128xf32>
      %mul3A_859 = arith.mulf %logistic3A_849, %add3A_825 : vector<1x128xf32>
      %mul3A_860 = arith.mulf %logistic3A_842, %tanh3A_851 : vector<1x128xf32>
      %add3A_861 = arith.addf %mul3A_859, %mul3A_860 : vector<1x128xf32>
      %tanh3A_862 = math.tanh %add3A_861 : vector<1x128xf32>
      %mul3A_863 = arith.mulf %logistic3A_858, %tanh3A_862 : vector<1x128xf32>
      %scan3A_864 = arith.constant 23 : i32
      %scan3A_865 = arith.addi %scan3A_39, %scan3A_864 : i32
      %get3A_866 = arith.index_cast %scan3A_865 : i32 to index
      %get3A_867 = arith.constant 0 : index
      %get3A_868 = vector.load %arg8[%get3A_866, %get3A_867] : memref<200x512xf32, #tpu.memory_space<vmem>>, vector<1x512xf32>
      %dot_general3A_869 = arith.constant dense<0.000000e+00> : vector<1x512xf32>
      %dot_general3A_870 = tpu.matmul %mul3A_863, %get3A_18, %dot_general3A_869 {dimension_numbers = #tpu.dot_dimension_numbers<[1], [1], [0], [0], [0, 0, 1, 0], [], []>, transpose_lhs_hint = false} : vector<1x128xf32>, vector<512x128xf32>, vector<1x512xf32> -> vector<1x512xf32>
      %add3A_871 = arith.addf %get3A_868, %dot_general3A_870 : vector<1x512xf32>
      %slice3A_872 = vector.extract_strided_slice %add3A_871 {offsets = [0, 0], sizes = [1, 128], strides = [1, 1]} : vector<1x512xf32> to vector<1x128xf32>
      %logistic3A_873 = arith.negf %slice3A_872 : vector<1x128xf32>
      %logistic3A_874 = math.exp %logistic3A_873 : vector<1x128xf32>
      %logistic3A_875 = arith.constant 1.000000e+00 : f32
      %logistic3A_876 = vector.broadcast %logistic3A_875 : f32 to vector<1x128xf32>
      %logistic3A_877 = arith.addf %logistic3A_876, %logistic3A_874 : vector<1x128xf32>
      %logistic3A_878 = arith.divf %logistic3A_876, %logistic3A_877 : vector<1x128xf32>
      %slice3A_879 = vector.extract_strided_slice %add3A_871 {offsets = [0, 128], sizes = [1, 128], strides = [1, 1]} : vector<1x512xf32> to vector<1x128xf32>
      %logistic3A_880 = arith.negf %slice3A_879 : vector<1x128xf32>
      %logistic3A_881 = math.exp %logistic3A_880 : vector<1x128xf32>
      %logistic3A_882 = arith.constant 1.000000e+00 : f32
      %logistic3A_883 = vector.broadcast %logistic3A_882 : f32 to vector<1x128xf32>
      %logistic3A_884 = arith.addf %logistic3A_883, %logistic3A_881 : vector<1x128xf32>
      %logistic3A_885 = arith.divf %logistic3A_883, %logistic3A_884 : vector<1x128xf32>
      %slice3A_886 = vector.extract_strided_slice %add3A_871 {offsets = [0, 256], sizes = [1, 128], strides = [1, 1]} : vector<1x512xf32> to vector<1x128xf32>
      %tanh3A_887 = math.tanh %slice3A_886 : vector<1x128xf32>
      %slice3A_888 = vector.extract_strided_slice %add3A_871 {offsets = [0, 384], sizes = [1, 128], strides = [1, 1]} : vector<1x512xf32> to vector<1x128xf32>
      %logistic3A_889 = arith.negf %slice3A_888 : vector<1x128xf32>
      %logistic3A_890 = math.exp %logistic3A_889 : vector<1x128xf32>
      %logistic3A_891 = arith.constant 1.000000e+00 : f32
      %logistic3A_892 = vector.broadcast %logistic3A_891 : f32 to vector<1x128xf32>
      %logistic3A_893 = arith.addf %logistic3A_892, %logistic3A_890 : vector<1x128xf32>
      %logistic3A_894 = arith.divf %logistic3A_892, %logistic3A_893 : vector<1x128xf32>
      %mul3A_895 = arith.mulf %logistic3A_885, %add3A_861 : vector<1x128xf32>
      %mul3A_896 = arith.mulf %logistic3A_878, %tanh3A_887 : vector<1x128xf32>
      %add3A_897 = arith.addf %mul3A_895, %mul3A_896 : vector<1x128xf32>
      %tanh3A_898 = math.tanh %add3A_897 : vector<1x128xf32>
      %mul3A_899 = arith.mulf %logistic3A_894, %tanh3A_898 : vector<1x128xf32>
      %scan3A_900 = arith.constant 24 : i32
      %scan3A_901 = arith.addi %scan3A_39, %scan3A_900 : i32
      %get3A_902 = arith.index_cast %scan3A_901 : i32 to index
      %get3A_903 = arith.constant 0 : index
      %get3A_904 = vector.load %arg8[%get3A_902, %get3A_903] : memref<200x512xf32, #tpu.memory_space<vmem>>, vector<1x512xf32>
      %dot_general3A_905 = arith.constant dense<0.000000e+00> : vector<1x512xf32>
      %dot_general3A_906 = tpu.matmul %mul3A_899, %get3A_18, %dot_general3A_905 {dimension_numbers = #tpu.dot_dimension_numbers<[1], [1], [0], [0], [0, 0, 1, 0], [], []>, transpose_lhs_hint = false} : vector<1x128xf32>, vector<512x128xf32>, vector<1x512xf32> -> vector<1x512xf32>
      %add3A_907 = arith.addf %get3A_904, %dot_general3A_906 : vector<1x512xf32>
      %slice3A_908 = vector.extract_strided_slice %add3A_907 {offsets = [0, 0], sizes = [1, 128], strides = [1, 1]} : vector<1x512xf32> to vector<1x128xf32>
      %logistic3A_909 = arith.negf %slice3A_908 : vector<1x128xf32>
      %logistic3A_910 = math.exp %logistic3A_909 : vector<1x128xf32>
      %logistic3A_911 = arith.constant 1.000000e+00 : f32
      %logistic3A_912 = vector.broadcast %logistic3A_911 : f32 to vector<1x128xf32>
      %logistic3A_913 = arith.addf %logistic3A_912, %logistic3A_910 : vector<1x128xf32>
      %logistic3A_914 = arith.divf %logistic3A_912, %logistic3A_913 : vector<1x128xf32>
      %slice3A_915 = vector.extract_strided_slice %add3A_907 {offsets = [0, 128], sizes = [1, 128], strides = [1, 1]} : vector<1x512xf32> to vector<1x128xf32>
      %logistic3A_916 = arith.negf %slice3A_915 : vector<1x128xf32>
      %logistic3A_917 = math.exp %logistic3A_916 : vector<1x128xf32>
      %logistic3A_918 = arith.constant 1.000000e+00 : f32
      %logistic3A_919 = vector.broadcast %logistic3A_918 : f32 to vector<1x128xf32>
      %logistic3A_920 = arith.addf %logistic3A_919, %logistic3A_917 : vector<1x128xf32>
      %logistic3A_921 = arith.divf %logistic3A_919, %logistic3A_920 : vector<1x128xf32>
      %slice3A_922 = vector.extract_strided_slice %add3A_907 {offsets = [0, 256], sizes = [1, 128], strides = [1, 1]} : vector<1x512xf32> to vector<1x128xf32>
      %tanh3A_923 = math.tanh %slice3A_922 : vector<1x128xf32>
      %slice3A_924 = vector.extract_strided_slice %add3A_907 {offsets = [0, 384], sizes = [1, 128], strides = [1, 1]} : vector<1x512xf32> to vector<1x128xf32>
      %logistic3A_925 = arith.negf %slice3A_924 : vector<1x128xf32>
      %logistic3A_926 = math.exp %logistic3A_925 : vector<1x128xf32>
      %logistic3A_927 = arith.constant 1.000000e+00 : f32
      %logistic3A_928 = vector.broadcast %logistic3A_927 : f32 to vector<1x128xf32>
      %logistic3A_929 = arith.addf %logistic3A_928, %logistic3A_926 : vector<1x128xf32>
      %logistic3A_930 = arith.divf %logistic3A_928, %logistic3A_929 : vector<1x128xf32>
      %mul3A_931 = arith.mulf %logistic3A_921, %add3A_897 : vector<1x128xf32>
      %mul3A_932 = arith.mulf %logistic3A_914, %tanh3A_923 : vector<1x128xf32>
      %add3A_933 = arith.addf %mul3A_931, %mul3A_932 : vector<1x128xf32>
      %tanh3A_934 = math.tanh %add3A_933 : vector<1x128xf32>
      %mul3A_935 = arith.mulf %logistic3A_930, %tanh3A_934 : vector<1x128xf32>
      scf.yield %mul3A_935, %add3A_933 : vector<1x128xf32>, vector<1x128xf32>
    }
    %scan3A_26 = arith.constant 200 : i32
    %get3A_27 = arith.constant 0 : index
    %get3A_28 = arith.constant 0 : index
    %get3A_29 = vector.load %arg5[%get3A_27, %get3A_28] : memref<2x128xf32, #tpu.memory_space<vmem>>, vector<2x128xf32>
    %dot_general3A_30 = arith.constant dense<0.000000e+00> : vector<1x2xf32>
    %dot_general3A_31 = tpu.matmul %scan3A_25#0, %get3A_29, %dot_general3A_30 {dimension_numbers = #tpu.dot_dimension_numbers<[1], [1], [0], [0], [0, 0, 1, 0], [], []>, transpose_lhs_hint = false} : vector<1x128xf32>, vector<2x128xf32>, vector<1x2xf32> -> vector<1x2xf32>
    %get3A_32 = arith.constant 0 : index
    %get3A_33 = vector.load %arg6[%get3A_32] : memref<2xf32, #tpu.memory_space<vmem>>, vector<2xf32>
    %broadcast_in_dim3A_34 = vector.shape_cast %get3A_33 : vector<2xf32> to vector<1x2xf32>
    %add3A_35 = arith.addf %dot_general3A_31, %broadcast_in_dim3A_34 : vector<1x2xf32>
    %swap3A_36 = arith.constant 0 : index
    %swap3A_37 = arith.constant 0 : index
    %swap3A_38 = vector.load %arg7[%swap3A_36, %swap3A_37] : memref<1x2xf32, #tpu.memory_space<vmem>>, vector<1x2xf32>
    tpu.vector_store %arg7[%swap3A_36, %swap3A_37], %add3A_35 {strides = array<i32>} : memref<1x2xf32, #tpu.memory_space<vmem>>, vector<1x2xf32>,
    return
  }
}

</mosaic_0001>

<sc_bundles>
// kernel: kernel.4.cloned.1.call-start
scs
__scs_entry_jumppad:
0x0: {  	(pc) =	sbr.rel $0x88, $3  }
0x1: {  	(tag) =	ssettag $0x0;
	lr =	simm.s32 $0x1  }
0x2: {  	[smem:$0x3F99] =	sst lr;
	_ =	strace $0xD0000000  }
0x3: {  	_ = 	snop  }
0x4: {  	_ = 	snop  }
0x5: {  	_ = 	snop  }
0x6: {  	_ = 	snop  }
0x7: {  	_ = 	snop  }
__scs_overlays_trampoline_lowered:
0x8: {  	[smem:$0x3FA8] =	sst s0  }
0x9: {  	[smem:$0x3FA9] =	sst s1  }
0xa: {  	[smem:$0x3FAA] =	sst s2  }
0xb: {  	[smem:$0x3FAB] =	sst s3  }
0xc: {  	[smem:$0x3FAC] =	sst s4  }
0xd: {  	[smem:$0x3FAD] =	sst s5  }
0xe: {  	[smem:$0x3FAE] =	sst s6  }
0xf: {  	[smem:$0x3FAF] =	sst s7  }
0x10: {  	[smem:$0x3FB0] =	sst s8  }
0x11: {  	[smem:$0x3FB1] =	sst s9;
	s0 =	simm.s32 @!p0 $0x0  }
0x12: {  	s1 =	sld [smem:$0x3F97];
	s0 =	simm.s32 @p0 $0x1  }
0x13: {  	[smem:$0x3FB2] =	sst s0;
	s0 =	simm.s32 @!p1 $0x0  }
0x14: {  	s2 =	sld [smem:$0x3F96];
	s0 =	simm.s32 @p1 $0x1  }
0x15: {  	[smem:$0x3FB3] =	sst s0;
	s0 =	simm.s32 @!p2 $0x0  }
0x16: {  	s3 =	sld [smem:$0x3FDB];
	s0 =	simm.s32 @p2 $0x1  }
0x17: {  	s4 =	simm.s32 $0x1BF5;
	[smem:$0x3FB5] =	sst s0  }
0x18: {  	s0 =	sld [smem:$0x3F98];
	_ =	swait.ge [sflag:s4], $0x0  }
0x19: {  	s7 =	sld [smem:$0x3F99]  }
0x1a: {  	s8 =	sadd.s32 $0xFFFFE003, lr  }
0x1b: {  	s9 =	sadd.s32 $0xFFFFFEF7, lr;
	s5 =	simm.s32 $0xFFFFFFFF;
	p2 =	slt.u32 s8, $0xFFFFF086  }
0x1c: {  	p1 =	slt.u32 s9, $0xF7A;
	s5 =	simm.s32 @!p2 $0x0  }
0x1d: {  	s5 =	simm.s32 @p1 $0x1;
	p0 =	seq.s32 s7, s2  }
0x1e: {  	s7 =	smul.u32 @!p0 $0xF7A, s2;
	p2 =	seq.s32 @!p0 s5, $0x0  }
0x1f: {  	s9 =	smul.u32 $0xF7A, s1;
	s8 =	simm.s32 @!p0 $0x1BF5;
	p2 =	por !p2, p0  }
0x20: {  	[sflag:s8] =	ssyncset.s32 @!p0 $0xFFFFF086;
	s6 =	sadd.s32 @!p0 s3, s7;
	s7 =	simm.s32 @!p0 $0x108  }
0x21: {  	s3 =	sadd.s32 s3, s9;
	s6 =	sadd.s32 @!p0 $0x88, s6;
	s7 =	simm.s32 @p2 $0x1082  }
0x22: {  	[simem:s7], [sflag:s8] =	dma.local @!p0 [hbm:s6], $0xF7A  }
0x23: {  	s9 =	sor.u32 $0xD0000000, s2;
	s6 =	simm.s32 $0x108;
	_ =	swait.ge @!p0 [sflag:s8], $0x0  }
0x24: {  	s3 =	sadd.s32 $0x88, s3;
	s6 =	simm.s32 @!p1 $0x1082;
	[sflag:s4] =	ssyncset.s32 $0xFFFFF086  }
0x25: {  	[simem:s6], [sflag:s4] =	dma.local [hbm:s3], $0xF7A  }
0x26: {  	[smem:$0x3F99] =	sst s1;
	(tag) =	ssettag s2;
	_ =	strace s9  }
0x27: {  	s1 =	sld [smem:$0x3FA9]  }
0x28: {  	s2 =	sld [smem:$0x3FAA]  }
0x29: {  	s4 =	sld [smem:$0x3FAC]  }
0x2a: {  	p0 =	seq.s32 s5, $0x0;
	s5 =	sld [smem:$0x3FAD]  }
0x2b: {  	s6 =	sld [smem:$0x3FAE]  }
0x2c: {  	s7 =	sld [smem:$0x3FAF]  }
0x2d: {  	s3 =	simm.s32 $0x108;
	s8 =	sld [smem:$0x3FB0]  }
0x2e: {  	s3 =	simm.s32 @!p0 $0x1082;
	s9 =	sld [smem:$0x3FB1]  }
0x2f: {  	lr =	sadd.s32 s0, s3;
	s0 =	sld [smem:$0x3FA8]  }
0x30: {  	s3 =	sld [smem:$0x3FAB]  }
0x31: {  	[smem:$0x3FB4] =	sst s10  }
0x32: {  	s10 =	sld [smem:$0x3FB2];
	_ =	sdelay $0x3  }
0x33: {  	p0 =	seq.s32 s10, $0x1;
	s10 =	sld [smem:$0x3FB4];
	_ =	sdelay $0x3  }
0x34: {  	[smem:$0x3FB4] =	sst s10  }
0x35: {  	s10 =	sld [smem:$0x3FB3];
	_ =	sdelay $0x3  }
0x36: {  	p1 =	seq.s32 s10, $0x1;
	s10 =	sld [smem:$0x3FB4];
	_ =	sdelay $0x3  }
0x37: {  	[smem:$0x3FB4] =	sst s10  }
0x38: {  	s10 =	sld [smem:$0x3FB5]  }
0x39: {  	_ = 	snop;
	(pc) =	sbr.ind lr, $3  }
0x3a: {  	_ = 	snop  }
0x3b: {  	_ = 	snop  }
0x3c: {  	p2 =	seq.s32 s10, $0x1;
	s10 =	sld [smem:$0x3FB4]  }
0x3d: {  	_ =	shalt  }
0x3e: {  	_ =	shalt  }
0x3f: {  	_ =	shalt  }
0x40: {  	_ =	shalt  }
0x41: {  	_ =	shalt  }
0x42: {  	_ =	shalt  }
0x43: {  	_ =	shalt  }
0x44: {  	_ =	shalt  }
0x45: {  	_ =	shalt  }
0x46: {  	_ =	shalt  }
0x47: {  	_ =	shalt  }
0x48: {  	_ =	shalt  }
0x49: {  	_ =	shalt  }
0x4a: {  	_ =	shalt  }
0x4b: {  	_ =	shalt  }
0x4c: {  	_ =	shalt  }
0x4d: {  	_ =	shalt  }
0x4e: {  	_ =	shalt  }
0x4f: {  	_ =	shalt  }
0x50: {  	_ =	shalt  }
0x51: {  	_ =	shalt  }
0x52: {  	_ =	shalt  }
0x53: {  	_ =	shalt  }
0x54: {  	_ =	shalt  }
0x55: {  	_ =	shalt  }
0x56: {  	_ =	shalt  }
0x57: {  	_ =	shalt  }
0x58: {  	_ =	shalt  }
0x59: {  	_ =	shalt  }
0x5a: {  	_ =	shalt  }
0x5b: {  	_ =	shalt  }
0x5c: {  	_ =	shalt  }
0x5d: {  	_ =	shalt  }
0x5e: {  	_ =	shalt  }
0x5f: {  	_ =	shalt  }
0x60: {  	_ =	shalt  }
0x61: {  	_ =	shalt  }
0x62: {  	_ =	shalt  }
0x63: {  	_ =	shalt  }
0x64: {  	_ =	shalt  }
0x65: {  	_ =	shalt  }
0x66: {  	_ =	shalt  }
0x67: {  	_ =	shalt  }
0x68: {  	_ =	shalt  }
0x69: {  	_ =	shalt  }
0x6a: {  	_ =	shalt  }
0x6b: {  	_ =	shalt  }
0x6c: {  	_ =	shalt  }
0x6d: {  	_ =	shalt  }
0x6e: {  	_ =	shalt  }
0x6f: {  	_ =	shalt  }
0x70: {  	_ =	shalt  }
0x71: {  	_ =	shalt  }
0x72: {  	_ =	shalt  }
0x73: {  	_ =	shalt  }
0x74: {  	_ =	shalt  }
0x75: {  	_ =	shalt  }
0x76: {  	_ =	shalt  }
0x77: {  	_ =	shalt  }
0x78: {  	_ =	shalt  }
0x79: {  	_ =	shalt  }
0x7a: {  	_ =	shalt  }
0x7b: {  	_ =	shalt  }
0x7c: {  	_ =	shalt  }
0x7d: {  	_ =	shalt  }
0x7e: {  	_ =	shalt  }
0x7f: {  	_ =	shalt  }
0x80: {  	_ =	shalt  }
0x81: {  	_ =	shalt  }
0x82: {  	_ =	shalt  }
0x83: {  	_ =	shalt  }
0x84: {  	_ =	shalt  }
0x85: {  	_ =	shalt  }
0x86: {  	_ =	shalt  }
0x87: {  	_ =	shalt  }
.Lfunc_end0:
.L_simem_size_0:
called_computation_lowered:
.L_overlay_start_0:
0x88: {  	s2 =	sld [smem:$0x3FD9]  }
0x89: {  	s3 =	sld [smem:$0x3FFE];
	_ =	sdelay $0x1  }
0x8a: {  	s1 =	srdreg.scid  }
0x8b: {  	s0 =	sand.u32 $0x1, s1  }
0x8c: {  	s14 =	sshll.u32 s0, $0xA;
	s2 =	sadd.s32 s3, s2  }
0x8d: {  	s2 =	sadd.s32 s2, s14  }
0x8e: {  	[smem:$0x3FC0] =	sst s2  }
0x8f: {  	_ = 	snop  }
0x90: {  	s2 =	sld [smem:$0x3FD0];
	_ =	sdelay $0x2  }
0x91: {  	s4 =	simm.s32 $0xA;
	s5 =	simm.s32 $0x10;
	s15 =	sld [smem:$0x3FC9]  }
0x92: {  	[smem:s5], [sflag:s4] =	dma.local [hbm:s2], $0x1  }
0x93: {  	_ =	swait.eq [sflag:s4], $0x1  }
0x94: {  	[sflag:s4] =	ssyncset.done $0x0  }
0x95: {  	[sflag:s4] =	ssyncadd.s32 $0xFFFFFFFF  }
0x96: {  	s16 =	sld [smem:$0x11];
	(tm) =	ssettm $0x1  }
0x97: {  	s17 =	sld [smem:$0x3FFB];
	_ =	sdelay $0x3  }
0x98: {  	_ =	strace s17  }
0x99: {  	s4 =	sld [smem:$0x3FFC];
	_ =	sdelay $0x3  }
0x9a: {  	_ =	strace s4  }
0x9b: {  	s4 =	sld [smem:$0x3FFD];
	_ =	sdelay $0x3  }
0x9c: {  	_ =	strace s4  }
0x9d: {  	_ =	strace $0x8FFFFFFF  }
0x9e: {  	s18 =	sld [smem:$0x3FDB];
	_ =	sdelay $0x1  }
0x9f: {  	s19 =	simm.s32 $_scs_section_size  }
0xa0: {  	s6 =	simm.s32 $_size__tile_overlayer_lowered;
	s7 =	simm.s32 $_tile_overlayer_lowered  }
0xa1: {  	s22 =	simm.s32 $0x1BFF;
	s21 =	sshll.u32 s7, $0x1;
	s4 =	sadd.s32 s19, s18  }
0xa2: {  	s8 =	simm.s32 $0x0;
	s20 =	sshll.u32 s6, $0x1;
	s6 =	sadd.s32 s21, s4  }
0xa3: {  	[timem:s8], [sflag:s22] =	dma.local [hbm:s6], s20  }
0xa4: {  	_ =	swait.ge [sflag:s22], s20  }
0xa5: {  	s5 =	ssub.s32 $0x0, s20;
	[sflag:s22] =	ssyncset.done $0x0  }
0xa6: {  	[sflag:s22] =	ssyncadd.s32 s5;
	_ =	sdelay $0x1  }
0xa7: {  	s23 =	simm.s32 $0x1B8B  }
0xa8: {  	_ =	swait.ge [sflag:s23], $0x1  }
0xa9: {  	[sflag:s23] =	ssyncset.done $0x0  }
0xaa: {  	s25 =	simm.s32 $0x1B8E;
	s24 =	sld [smem:$0x3FFE];
	[sflag:s23] =	ssyncadd.s32 $0xFFFFFFFF  }
0xab: {  	s26 =	simm.s32 $execute0_lowered;
	[smem:$0x3FD2] =	sst s25  }
0xac: {  	s6 =	sshll.u32 s26, $0x1;
	_ =	strace $0x80000046;
	[dreg:$0x1] =	wrdreg $0xFFFFFFFF  }
0xad: {  	s28 =	simm.s32 $_size_execute0_lowered;
	s4 =	sadd.s32 s4, s6;
	[dreg:$0x0] =	wrdreg $0x0  }
0xae: {  	s6 =	sshll.u32 s28, $0x1;
	[dreg:$0x2] =	wrdreg s4  }
0xaf: {  	[dreg:$0x3] =	wrdreg s6  }
0xb0: {  	[dreg:$0x4] =	wrdreg $0xC0  }
0xb1: {  	_ =	task [dreg:s8], $0x5FFFF  }
0xb2: {  	[dreg:$0x1] =	wrdreg $0xFFFFFFFF  }
0xb3: {  	[dreg:$0x0] =	wrdreg $0x60  }
0xb4: {  	[dreg:$0x2] =	wrdreg s24  }
0xb5: {  	[dreg:$0x3] =	wrdreg s15  }
0xb6: {  	[dreg:$0x4] =	wrdreg s16  }
0xb7: {  	[dreg:$0x5] =	wrdreg $0x9  }
0xb8: {  	_ =	task.clear_ibuf [dreg:s8], $0x6FFFF;
	_ =	strace $0x90000046  }
0xb9: {  	s29 =	simm.s32 $0x9;
	_ =	strace $0x80000048  }
0xba: {  	_ =	swait.ge [sflag:s29], $0x1  }
0xbb: {  	[sflag:s29] =	ssyncadd.s32 $0xFFFFFFFF  }
0xbc: {  	_ =	strace $0x90000048  }
0xbd: {  	_ =	sfence  }
0xbe: {  	s30 =	sld [smem:$0x0];
	_ =	sdelay $0x2  }
0xbf: {  	s31 =	sshll.u32 s1, $0xD;
	s1 =	sshrl.u32 s1, $0x2  }
0xc0: {  	s3 =	sand.u32 $0x4000, s31;
	s1 =	sadd.s32 s1, s30  }
0xc1: {  	s0 =	sor.u32 s3, s0;
	s1 =	sshll.u32 s1, $0x11  }
0xc2: {  	s0 =	sor.u32 s1, s0  }
0xc3: {  	s0 =	sadd.s32 $0x8F2B, s0  }
0xc4: {  	[sflag:s0] =	ssyncadd.remote.s32 $0x1  }
0xc5: {  	_ =	sfence.sel $0xFFFF  }
0xc6: {  	[dreg:$0x0] =	wrdreg $0xFFFFFFFF;
	(pc) =	sbr.abs _section_cstart, $3  }
0xc7: {  	[dreg:$0x1] =	wrdreg $0xFFFFFFFF  }
0xc8: {  	_ =	task.clear_ibuf [dreg:s8], $0x2FFFF;
	_ =	strace $0x9FFFFFFF  }
0xc9: {  	(tm) =	ssettm $0x7FFFFFFF  }
tec
execute0_lowered:
.L_overlay_start_1:
0x0: {  	(tag) =	ssettag $0x1  }
0x1: {  	s1 =	srdreg.scid;
	s0 =	stileid.u32  }
0x2: {  	s6 =	sand.u32 $0x1, s1;
	s4 =	sshll.u32 s0, $0x1  }
0x3: {  	s9 =	sor.u32 s6, s4  }
0x4: {  	p0 =	sgt.u32 s9, $0x18  }
.Ltmp0:
0x5: {  	s5 =	rddreg [dreg:$0x0];
	(pc) =	sbr.rel @p0 .LBB2_4-.Ltmp0, $4  }
0x6: {  	s3 =	rddreg [dreg:$0x1]  }
0x7: {  	s8 =	rddreg [dreg:$0x2];
	s2 =	simm.s32 $0x0  }
0x8: {  	[smem:$0x7FF] =	sst s2  }
0x9: {  	s1 =	rddreg [dreg:$0x3];
	_ =	strace $0x80000047  }
0xa: {  	s4 =	sadd.s32 s3, s9;
	s3 =	simm.s32 $0x2;
	s10 =	ssub.s32 $0x2, s6  }
0xb: {  	[tilespmem:s2], [sflag:$0x2] =	stream.linear.gather [hbm4b:s4+s2], $0x8, $0x38;
	[tilespmem:$0x208] =	vst v63  }
0xc: {  	s5 =	sadd.s32 $0x187C00, s5;
	s11 =	sshrl.u32 s10, $0x1;
	_ =	swait.ge [sflag:s3], $0x8  }
0xd: {  	s6 =	simm.s32 $0x8;
	s10 =	ssub.s32 s10, s11;
	[sflag:s3] =	ssyncset.done $0x0  }
0xe: {  	s7 =	simm.s32 $0x1;
	s31 =	smax.u32 s10, $0x1;
	[sflag:s3] =	ssyncadd.s32 $0xFFFFFFF8  }
0xf: {  	[tilespmem:s6], [sflag:$0x1] =	stream.indirect.gather [hbm4b:s5+s6], $0x40, s2, s6, $0xb8;
	[tilespmem:$0x208] =	vst v63  }
0x10: {  	p0 =	sne.s32 s31, $0x1;
	_ =	swait.ge [sflag:s7], $0x200  }
.Ltmp1:
0x11: {  	s30 =	sshll.u32 s9, $0x6;
	[sflag:s7] =	ssyncset.done $0x0;
	(pc) =	sbr.rel @!p0 .LBB2_3-.Ltmp1, $4  }
0x12: {  	s8 =	sadd.s32 s8, s30;
	[sflag:s7] =	ssyncadd.s32 $0xFFFFFE00  }
0x13: {  	[hbm4b:s8+s2] =	stream.linear.scatter [tilespmem:s6], [sflag:$0x2], $0x200, $0x38;
	[tilespmem:$0x208] =	vst v63  }
0x14: {  	_ =	swait.ge [sflag:s3], $0x200  }
0x15: {  	s9 =	sadd.s32 $0xFFFFFFFF, s31;
	[sflag:s3] =	ssyncset.done $0x0  }
.LBB2_2:
0x16: {  	p0 =	sne.s32 s9, $0x1;
	s9 =	sadd.s32 $0xFFFFFFFF, s9;
	[sflag:s3] =	ssyncadd.s32 $0xFFFFFE00  }
0x17: {  	[tilespmem:s2], [sflag:$0x2] =	stream.linear.gather [hbm4b:s4+s2], $0x8, $0x38;
	[tilespmem:$0x208] =	vst v63  }
0x18: {  	_ =	swait.ge [sflag:s3], $0x8  }
0x19: {  	[sflag:s3] =	ssyncset.done $0x0  }
0x1a: {  	[sflag:s3] =	ssyncadd.s32 $0xFFFFFFF8  }
0x1b: {  	[tilespmem:s6], [sflag:$0x1] =	stream.indirect.gather [hbm4b:s5+s6], $0x40, s2, s6, $0xb8;
	[tilespmem:$0x208] =	vst v63  }
0x1c: {  	_ =	swait.ge [sflag:s7], $0x200  }
.Ltmp2:
0x1d: {  	[sflag:s7] =	ssyncset.done $0x0;
	(pc) =	sbr.rel @p0 .LBB2_2-.Ltmp2, $4  }
0x1e: {  	[sflag:s7] =	ssyncadd.s32 $0xFFFFFE00  }
0x1f: {  	[hbm4b:s8+s2] =	stream.linear.scatter [tilespmem:s6], [sflag:$0x2], $0x200, $0x38;
	[tilespmem:$0x208] =	vst v63  }
0x20: {  	_ =	swait.ge [sflag:s3], $0x200  }
0x21: {  	[sflag:s3] =	ssyncset.done $0x0  }
.LBB2_3:
0x22: {  	[sflag:s3] =	ssyncadd.s32 $0xFFFFFE00  }
.LBB2_4:
0x23: {  	_ =	sfence.sel $0x180000  }
0x24: {  	[bflag:$0x0] =	sbarrier.arrive $0xFFFF  }
0x25: {  	p0 =	sne.s32 s0, $0x0;
	_ =	strace $0x90000047  }
0x26: {  	s0 =	sadd.s32 @!p0 $0x100000, s1;
	[bflag:$0x2] =	sbarrier.arrive $0xFFFF  }
0x27: {  	[sflag:s0] =	ssyncadd.tile.s32 @!p0 $0x1;
	_ =	shalt  }
.Lfunc_end2:
_tile_overlayer_lowered:
.L_overlay_start_2:
0x28: {  	(tag) =	ssettag $0x2  }
0x29: {  	s0 =	rddreg [dreg:$0x0];
	s2 =	stileid.u32  }
0x2a: {  	s1 =	rddreg [dreg:$0x1];
	p0 =	sne.s32 s2, $0x0  }
0x2b: {  	s3 =	rddreg [dreg:$0x2];
	[bflag:$0x3] =	sbarrier.arrive $0xFFFF;
	s2 =	simm.s32 @!p0 $0x1C02  }
0x2c: {  	[timem:s3], [sflag:s2] =	dma.local @!p0 [hbm:s0], s1  }
0x2d: {  	s0 =	simm.s32 @!p0 $0x2  }
0x2e: {  	_ =	swait.ge @!p0 [sflag:s0], s1  }
0x2f: {  	s1 =	ssub.s32 @!p0 $0x0, s1;
	[sflag:s0] =	ssyncset.done @!p0 $0x0  }
0x30: {  	[sflag:s0] =	ssyncadd.s32 @!p0 s1  }
0x31: {  	[bflag:$0x3] =	sbarrier.arrive $0xFFFF  }
0x32: {  	_ =	shalt  }

</sc_bundles>
